<compile_context>
chip_gen: v7x
topology: tpu7x:2x2x1
jax: 0.10.2.dev20260603
libtpu: 0.0.44.dev20260713+nightly
codegen_flags: <defaults>
</compile_context>

<pallas_src>
import jax
import jax.numpy as jnp
from jax.experimental import pallas as pl
from jax.experimental.pallas import tpu as pltpu
from jax.experimental.pallas import tpu_sc as plsc

S = 2048
D = 768
H = 12
HD = 64
E = 64
DFF = 512
C = 64
NSLOT = E * C
NBUF = NSLOT + C
RSUB = D // 128
SC_W = 128
QBLK = 2048
EPG = 4

HI = jax.lax.Precision.HIGHEST
F32 = jnp.float32


def _dot(a, b, dims, prec=None):
    return jax.lax.dot_general(a, b, (dims, ((), ())), precision=prec,
                               preferred_element_type=F32)


def _split(a):
    hi = a.astype(jnp.bfloat16)
    lo = (a - hi.astype(F32)).astype(jnp.bfloat16)
    return hi, lo


def _dot3(a, b, dims):
    (ca,), (cb,) = dims
    ah, al = _split(a)
    bh, bl = _split(b)
    a2 = jnp.concatenate([ah, al, ah], axis=ca)
    b2 = jnp.concatenate([bh, bh, bl], axis=cb)
    return _dot(a2, b2, dims)



def _qkv_kernel(x_ref, w_ref, b_ref, o_ref):
    o_ref[...] = _dot3(x_ref[...], w_ref[...], ((1,), (1,))) + b_ref[...]


def _attn_kernel(q_ref, k_ref, v_ref, o_ref):
    for i in range(2):
        sl = slice(i * HD, (i + 1) * HD)
        q = q_ref[:, sl] * 0.125
        s = _dot3(q, k_ref[:, sl], ((1,), (1,)))
        e = jnp.exp(s)
        r = jnp.sum(e, axis=1, keepdims=True)
        eh, el = _split(e)
        vh, vl = _split(v_ref[:, sl])
        t12 = _dot(eh, jnp.concatenate([vh, vl], axis=1), ((1,), (0,)))
        acc = t12[:, :HD] + t12[:, HD:] + _dot(el, vh, ((1,), (0,)))
        o_ref[:, sl] = acc / r


def _post_kernel(a_ref, x_ref, wo_ref, bo_ref, g1_ref, bb1_ref, wr_ref,
                 x1_ref, gate_ref, sscat_ref, sgath_ref):
    xo = _dot3(a_ref[...], wo_ref[...], ((1,), (1,))) + bo_ref[...] + x_ref[...]
    mu = jnp.mean(xo, axis=1, keepdims=True)
    var = jnp.mean((xo - mu) ** 2, axis=1, keepdims=True)
    x1 = (xo - mu) / jnp.sqrt(var + 1e-5) * g1_ref[...] + bb1_ref[...]
    x1_ref[...] = x1

    logits = _dot3(x1, wr_ref[...], ((1,), (0,)))
    lm = jnp.max(logits, axis=1, keepdims=True)
    pex = jnp.exp(logits - lm)
    gate = 1.0 / jnp.sum(pex, axis=1)
    eidx = jnp.argmax(logits, axis=1).astype(jnp.int32)

    oh = (jax.lax.broadcasted_iota(jnp.int32, (S, E), 1)
          == eidx[:, None]).astype(F32)
    c = oh
    shift = 1
    while shift < S:
        c = c + jnp.concatenate([jnp.zeros((shift, E), F32), c[:-shift]],
                                axis=0)
        shift *= 2
    pos = jnp.sum((c - oh) * oh, axis=1).astype(jnp.int32)
    keep = pos < C
    slot = eidx * C + jnp.minimum(pos, C - 1)
    gate_ref[...] = jnp.where(keep, gate, 0.0)[:, None]
    sub = jax.lax.broadcasted_iota(jnp.int32, (S, RSUB), 1)
    sscat_ref[...] = jnp.where(keep, slot, NSLOT)[:, None] * RSUB + sub
    sgath_ref[...] = jnp.where(keep, slot, 0)[:, None] * RSUB + sub


def _ffn_kernel(buf_ref, w1_ref, b1_ref, w2_ref, b2_ref, o_ref):
    for j in range(EPG):
        xb = buf_ref[j * C:(j + 1) * C, :].astype(jnp.bfloat16)
        h = _dot(xb, w1_ref[j].astype(jnp.bfloat16), ((1,), (0,)))
        h = jnp.maximum(h + b1_ref[j], 0.0)
        o = _dot(h.astype(jnp.bfloat16), w2_ref[j].astype(jnp.bfloat16),
                 ((1,), (0,)))
        o_ref[j * C:(j + 1) * C, :] = o + b2_ref[j]


def _out_kernel(x1_ref, y_ref, g_ref, g2_ref, b2_ref, o_ref):
    z = x1_ref[...] + y_ref[...] * g_ref[...]
    mu = jnp.mean(z, axis=1, keepdims=True)
    var = jnp.mean((z - mu) ** 2, axis=1, keepdims=True)
    o_ref[...] = (z - mu) / jnp.sqrt(var + 1e-5) * g2_ref[...] + b2_ref[...]



def _vmesh():
    return plsc.VectorSubcoreMesh(core_axis_name="c", subcore_axis_name="s")


def _sc_scatter_rows(x6, idx6):
    @pl.kernel(out_type=jax.ShapeDtypeStruct((NBUF * RSUB, 128), F32),
               mesh=_vmesh())
    def kern(x_hbm, i_hbm, o_hbm):
        def body(x_vmem, i_vmem):
            pltpu.sync_copy(x_vmem, o_hbm.at[i_vmem.at[0]])

        pltpu.emit_pipeline(
            body,
            grid=(S * RSUB // SC_W,),
            in_specs=[
                pl.BlockSpec((SC_W, 128), lambda i: (i, 0)),
                pl.BlockSpec((1, SC_W), lambda i: (0, i)),
            ],
            out_specs=[],
            core_axis_name=("c", "s"),
            dimension_semantics=(pltpu.PARALLEL,),
        )(x_hbm, i_hbm)

    return kern(x6, idx6)


def _sc_gather_rows(ob6, idx6):
    @pl.kernel(out_type=jax.ShapeDtypeStruct((S * RSUB, 128), F32),
               mesh=_vmesh())
    def kern(ob_hbm, i_hbm, y_hbm):
        def body(i_vmem, y_vmem):
            pltpu.sync_copy(ob_hbm.at[i_vmem.at[0]], y_vmem)

        pltpu.emit_pipeline(
            body,
            grid=(S * RSUB // SC_W,),
            in_specs=[pl.BlockSpec((1, SC_W), lambda i: (0, i))],
            out_specs=[pl.BlockSpec((SC_W, 128), lambda i: (i, 0))],
            core_axis_name=("c", "s"),
            dimension_semantics=(pltpu.PARALLEL,),
        )(i_hbm, y_hbm)

    return kern(ob6, idx6)



def kernel(x, mask, Wqkv, bqkv, Wo, bo, ln1_g, ln1_b, Wr, W1, b1, W2, b2,
           ln2_g, ln2_b):
    del mask
    x2d = x.reshape(S, D)

    qkv = pl.pallas_call(
        _qkv_kernel,
        grid=(S // QBLK, 3),
        in_specs=[
            pl.BlockSpec((QBLK, D), lambda r, c: (r, 0)),
            pl.BlockSpec((D, D), lambda r, c: (c, 0)),
            pl.BlockSpec((1, D), lambda r, c: (0, c)),
        ],
        out_specs=pl.BlockSpec((QBLK, D), lambda r, c: (r, c)),
        out_shape=jax.ShapeDtypeStruct((S, 3 * D), F32),
        compiler_params=pltpu.CompilerParams(
            dimension_semantics=("parallel", "parallel")),
    )(x2d, Wqkv, bqkv.reshape(1, 3 * D))

    attn = pl.pallas_call(
        _attn_kernel,
        grid=(H // 2, S // QBLK),
        in_specs=[
            pl.BlockSpec((QBLK, 2 * HD), lambda h, r: (r, h)),
            pl.BlockSpec((S, 2 * HD), lambda h, r: (0, H // 2 + h)),
            pl.BlockSpec((S, 2 * HD), lambda h, r: (0, H + h)),
        ],
        out_specs=pl.BlockSpec((QBLK, 2 * HD), lambda h, r: (r, h)),
        out_shape=jax.ShapeDtypeStruct((S, D), F32),
        compiler_params=pltpu.CompilerParams(
            dimension_semantics=("parallel", "parallel")),
    )(qkv, qkv, qkv)

    x1, gate, sscat, sgath = pl.pallas_call(
        _post_kernel,
        out_shape=[
            jax.ShapeDtypeStruct((S, D), F32),
            jax.ShapeDtypeStruct((S, 1), F32),
            jax.ShapeDtypeStruct((S, RSUB), jnp.int32),
            jax.ShapeDtypeStruct((S, RSUB), jnp.int32),
        ],
    )(attn, x2d, Wo, bo.reshape(1, D), ln1_g.reshape(1, D),
      ln1_b.reshape(1, D), Wr)

    buf = _sc_scatter_rows(x1.reshape(S * RSUB, 128),
                           sscat.reshape(1, S * RSUB)).reshape(NBUF, D)

    ob = pl.pallas_call(
        _ffn_kernel,
        grid=(E // EPG,),
        in_specs=[
            pl.BlockSpec((EPG * C, D), lambda e: (e, 0)),
            pl.BlockSpec((EPG, D, DFF), lambda e: (e, 0, 0)),
            pl.BlockSpec((EPG, 1, DFF), lambda e: (e, 0, 0)),
            pl.BlockSpec((EPG, DFF, D), lambda e: (e, 0, 0)),
            pl.BlockSpec((EPG, 1, D), lambda e: (e, 0, 0)),
        ],
        out_specs=pl.BlockSpec((EPG * C, D), lambda e: (e, 0)),
        out_shape=jax.ShapeDtypeStruct((NSLOT, D), F32),
        compiler_params=pltpu.CompilerParams(
            dimension_semantics=("parallel",)),
    )(buf, W1, b1.reshape(E, 1, DFF), W2, b2.reshape(E, 1, D))

    y = _sc_gather_rows(ob.reshape(NSLOT * RSUB, 128),
                        sgath.reshape(1, S * RSUB)).reshape(S, D)

    out = pl.pallas_call(
        _out_kernel,
        out_shape=jax.ShapeDtypeStruct((S, D), F32),
    )(x1, y, gate, ln2_g.reshape(1, D), ln2_b.reshape(1, D))

    return out.reshape(S, 1, D)

# --- scband reference (transcript-rebuilt; emitter-appended) ---
"""Pipeline reference for scband-p-mo-etransformer-77146202570854 (READ-ONLY COPY).

The authoritative reference and input builder live on the scoring server;
editing this copy changes nothing except your own understanding.
"""

import jax, jax.numpy as jnp
import numpy as np

S = 2048; B = 1; D = 768; H = 12; E = 64; DFF = 512; C = 64; TOPK = 1


def layernorm(x, g, b):
    m = jnp.mean(x, axis=-1, keepdims=True)
    v = jnp.mean((x - m) ** 2, axis=-1, keepdims=True)
    return (x - m) / jnp.sqrt(v + 1e-5) * g + b


def attention(x, mask, Wqkv, bqkv, Wo, bo):
    S_, B_, D_ = x.shape
    hd = D_ // H
    qkv = x @ Wqkv.T + bqkv
    q, k, v = jnp.split(qkv, 3, axis=-1)
    def heads(t):
        return t.reshape(S_, B_, H, hd).transpose(1, 2, 0, 3)
    q = heads(q) / np.sqrt(hd)
    k = heads(k)
    v = heads(v)
    scores = jnp.einsum('bhqd,bhkd->bhqk', q, k)
    kpm = (mask == 0)
    scores = jnp.where(kpm[:, None, None, :], -1e9, scores)
    attn = jax.nn.softmax(scores, axis=-1)
    out = jnp.einsum('bhqk,bhkd->bhqd', attn, v)
    out = out.transpose(2, 0, 1, 3).reshape(S_, B_, D_)
    return out @ Wo.T + bo


def moe(x2d, Wr, W1, b1, W2, b2):
    logits = x2d @ Wr
    probs = jax.nn.softmax(logits, axis=-1)
    gate_vals, idx = jax.lax.top_k(probs, TOPK)
    out = jnp.zeros_like(x2d)
    for kk in range(TOPK):
        e_idx = idx[:, kk]
        g = gate_vals[:, kk]
        oh = jax.nn.one_hot(e_idx, E, dtype=jnp.int32)
        pos = jnp.sum(jnp.cumsum(oh, axis=0) * oh - oh, axis=1)
        keep = (pos < C).astype(x2d.dtype)
        pos_c = jnp.clip(pos, 0, C - 1)
        buf = jnp.zeros((E, C, x2d.shape[1]), x2d.dtype)
        buf = buf.at[e_idx, pos_c].add(x2d * keep[:, None])
        h = jax.nn.relu(jnp.einsum('ecd,edf->ecf', buf, W1) + b1[:, None, :])
        ob = jnp.einsum('ecf,efd->ecd', h, W2) + b2[:, None, :]
        y = ob[e_idx, pos_c] * keep[:, None] * g[:, None]
        out = out + y
    return out


def setup_inputs(seed: int = 0) -> dict:
    key = jax.random.key(seed)
    ks = jax.random.split(key, 8)
    sD = 1.0 / np.sqrt(D)
    sF = 1.0 / np.sqrt(DFF)
    inp = {}
    inp['x'] = jax.random.normal(ks[0], (S, B, D), dtype=jnp.float32)
    inp['mask'] = jnp.ones((B, S), dtype=jnp.float32)
    inp['Wqkv'] = jax.random.normal(ks[1], (3 * D, D), dtype=jnp.float32) * sD
    inp['bqkv'] = jnp.zeros((3 * D,), dtype=jnp.float32)
    inp['Wo'] = jax.random.normal(ks[2], (D, D), dtype=jnp.float32) * sD
    inp['bo'] = jnp.zeros((D,), dtype=jnp.float32)
    inp['ln1_g'] = jnp.ones((D,), dtype=jnp.float32)
    inp['ln1_b'] = jnp.zeros((D,), dtype=jnp.float32)
    inp['Wr'] = jax.random.normal(ks[3], (D, E), dtype=jnp.float32) * sD
    inp['W1'] = jax.random.normal(ks[4], (E, D, DFF), dtype=jnp.float32) * sD
    inp['b1'] = jnp.zeros((E, DFF), dtype=jnp.float32)
    inp['W2'] = jax.random.normal(ks[5], (E, DFF, D), dtype=jnp.float32) * sF
    inp['b2'] = jnp.zeros((E, D), dtype=jnp.float32)
    inp['ln2_g'] = jnp.ones((D,), dtype=jnp.float32)
    inp['ln2_b'] = jnp.zeros((D,), dtype=jnp.float32)
    return inp


def reference(x, mask, Wqkv, bqkv, Wo, bo, ln1_g, ln1_b, Wr, W1, b1, W2, b2, ln2_g, ln2_b):
    a = attention(x, mask, Wqkv, bqkv, Wo, bo)
    x = layernorm(x + a, ln1_g, ln1_b)
    S_, B_, D_ = x.shape
    flat = x.reshape(S_ * B_, D_)
    m = moe(flat, Wr, W1, b1, W2, b2)
    out = layernorm(flat + m, ln2_g, ln2_b).reshape(S_, B_, D_)
    return out

if __name__ == "__main__":
    import jax
    _d = setup_inputs()
    print(jax.jit(kernel)(*tuple(_d.values())))

</pallas_src>

<mosaic_0001>
#map = affine_map<(d0, d1) -> (0, 0)>
module attributes {stable_mosaic.version = 14 : i64} {
  func.func @kern(%arg0: i32, %arg1: i32, %arg2: memref<24576x128xf32, #tpu.memory_space<hbm>>, %arg3: memref<1x12288xi32, #tpu.memory_space<hbm>>, %arg4: memref<12288x128xf32, #tpu.memory_space<hbm>>) attributes {dimension_semantics = [#tpu.dimension_semantics<core_parallel>, #tpu.dimension_semantics<subcore_parallel>], iteration_bounds = array<i64: 2, 16>, scalar_prefetch = 0 : i64, scratch_operands = 0 : i64, tpu.core_type = #tpu.core_type<sc_vector_subcore>, window_params = [{transform_indices = #map}, {transform_indices = #map}, {transform_indices = #map}]} {
    %mul3A = arith.constant 1 : i32
    %mul3A_0 = arith.muli %arg1, %mul3A : i32
    %add3A = arith.constant 0 : i32
    %add3A_1 = arith.addi %add3A, %mul3A_0 : i32
    %mul3A_2 = arith.constant 16 : i32
    %mul3A_3 = arith.muli %arg0, %mul3A_2 : i32
    %add3A_4 = arith.addi %add3A_1, %mul3A_3 : i32
    %mul3A_5 = arith.constant 3 : i32
    %mul3A_6 = arith.muli %add3A_4, %mul3A_5 : i32
    "tpu.region"() ({
      %run_scoped3A = memref.alloca() : memref<2x1x128xi32, #tpu.memory_space<vmem>>
      %run_scoped3A_7 = tpu.sem_alloc : memref<2x!tpu.dma_semaphore, #tpu.memory_space<semaphore_mem>>
      %run_scoped3A_8 = memref.alloca() : memref<2x128x128xf32, #tpu.memory_space<vmem>>
      %run_scoped3A_9 = tpu.sem_alloc : memref<2x!tpu.dma_semaphore, #tpu.memory_space<semaphore_mem>>
      %add3A_10 = arith.constant 0 : i32
      %add3A_11 = arith.addi %add3A_10, %mul3A_6 : i32
      %select_n3A = arith.constant true
      %select_n3A_12 = arith.constant 0 : i32
      %select_n3A_13 = arith.constant -1 : i32
      %select_n3A_14 = arith.select %select_n3A, %select_n3A_13, %select_n3A_12 : i32
      %eq3A = arith.constant -1 : i32
      %eq3A_15 = arith.cmpi eq, %select_n3A_14, %eq3A : i32
      %select_n3A_16 = arith.constant 2 : i32
      %select_n3A_17 = arith.select %eq3A_15, %select_n3A_16, %select_n3A_14 : i32
      %add3A_18 = arith.addi %select_n3A_17, %mul3A_6 : i32
      %select_n3A_19 = arith.constant true
      %select_n3A_20 = arith.constant 0 : i32
      %select_n3A_21 = arith.constant 1 : i32
      %select_n3A_22 = arith.select %select_n3A_19, %select_n3A_21, %select_n3A_20 : i32
      %eq3A_23 = arith.constant 3 : i32
      %eq3A_24 = arith.cmpi eq, %select_n3A_22, %eq3A_23 : i32
      %select_n3A_25 = arith.constant 0 : i32
      %select_n3A_26 = arith.select %eq3A_24, %select_n3A_25, %select_n3A_22 : i32
      %add3A_27 = arith.addi %select_n3A_26, %mul3A_6 : i32
      %add3A_28 = arith.constant 1 : i32
      %add3A_29 = arith.addi %select_n3A_26, %add3A_28 : i32
      %select_n3A_30 = arith.constant true
      %select_n3A_31 = arith.select %select_n3A_30, %add3A_29, %select_n3A_26 : i32
      %eq3A_32 = arith.constant 3 : i32
      %eq3A_33 = arith.cmpi eq, %select_n3A_31, %eq3A_32 : i32
      %select_n3A_34 = arith.constant 0 : i32
      %select_n3A_35 = arith.select %eq3A_33, %select_n3A_34, %select_n3A_31 : i32
      %add3A_36 = arith.addi %select_n3A_35, %mul3A_6 : i32
      "tpu.trace_start"() <{level = 10 : i32, message = "ep_initialize_0"}> : () -> ()
      %rem3A = arith.constant 0 : i32
      %rem3A_37 = arith.constant 2 : i32
      %rem3A_38 = arith.remui %rem3A, %rem3A_37 : i32
      %mul3A_39 = arith.constant 128 : i32
      %mul3A_40 = arith.muli %mul3A_39, %add3A_11 : i32
      %dma_start3A = arith.constant 0 : i32
      %dma_start3A_41 = arith.constant 0 : i32
      %dma_start3A_42 = tpu.memref_slice %run_scoped3A[%rem3A_38, %dma_start3A, %dma_start3A_41] : memref<2x1x128xi32, #tpu.memory_space<vmem>> -> memref<1x1x128xi32, #tpu.memory_space<vmem>>
      %dma_start3A_43 = tpu.memref_squeeze %dma_start3A_42 : memref<1x1x128xi32, #tpu.memory_space<vmem>> -> memref<1x128xi32, #tpu.memory_space<vmem>>
      %dma_start3A_44 = arith.constant 0 : i32
      %dma_start3A_45 = tpu.memref_slice %arg3[%dma_start3A_44, %mul3A_40] : memref<1x12288xi32, #tpu.memory_space<hbm>> -> memref<1x128xi32, #tpu.memory_space<hbm>>
      %dma_start3A_46 = tpu.memref_slice %run_scoped3A_7[%rem3A_38] : memref<2x!tpu.dma_semaphore, #tpu.memory_space<semaphore_mem>> -> memref<1x!tpu.dma_semaphore, #tpu.memory_space<semaphore_mem>>
      %dma_start3A_47 = tpu.memref_squeeze %dma_start3A_46 : memref<1x!tpu.dma_semaphore, #tpu.memory_space<semaphore_mem>> -> memref<!tpu.dma_semaphore, #tpu.memory_space<semaphore_mem>>
      %dma_start3A_48 = arith.constant 0 : i32
      %dma_start3A_49 = arith.constant 0 : i32
      %dma_start3A_50 = tpu.memref_slice %run_scoped3A[%rem3A_38, %dma_start3A_48, %dma_start3A_49] : memref<2x1x128xi32, #tpu.memory_space<vmem>> -> memref<1x1x128xi32, #tpu.memory_space<vmem>>
      %dma_start3A_51 = tpu.memref_squeeze %dma_start3A_50 : memref<1x1x128xi32, #tpu.memory_space<vmem>> -> memref<1x128xi32, #tpu.memory_space<vmem>>
      %dma_start3A_52 = arith.constant 0 : i32
      %dma_start3A_53 = tpu.memref_slice %arg3[%dma_start3A_52, %mul3A_40] : memref<1x12288xi32, #tpu.memory_space<hbm>> -> memref<1x128xi32, #tpu.memory_space<hbm>>
      tpu.enqueue_dma source(%dma_start3A_53 : memref<1x128xi32, #tpu.memory_space<hbm>>) target(%dma_start3A_51 : memref<1x128xi32, #tpu.memory_space<vmem>>) target_semaphore(%dma_start3A_47 : memref<!tpu.dma_semaphore, #tpu.memory_space<semaphore_mem>>)
      %add3A_54 = arith.constant 0 : i32
      %add3A_55 = arith.constant 1 : i32
      %add3A_56 = arith.addi %add3A_54, %add3A_55 : i32
      %select_n3A_57 = arith.constant true
      %select_n3A_58 = arith.constant 0 : i32
      %select_n3A_59 = arith.select %select_n3A_57, %add3A_56, %select_n3A_58 : i32
      "tpu.trace_stop"() : () -> ()
      %scan3A = arith.constant 0 : i32
      %scan3A_60 = arith.constant 0 : i32
      %scan3A_61 = arith.constant 0 : i32
      %scan3A_62 = arith.constant 0 : i32
      %scan3A_63 = arith.constant 0 : i32
      %scan3A_64 = arith.constant 3 : i32
      %scan3A_65 = arith.addi %scan3A_63, %scan3A_64 : i32
      %scan3A_66 = arith.constant 1 : i32
      %scan3A_67:5 = scf.for %scan3A_121 = %scan3A_63 to %scan3A_65 step %scan3A_66 iter_args(%scan3A_122 = %select_n3A_59, %scan3A_123 = %scan3A, %scan3A_124 = %scan3A_60, %scan3A_125 = %scan3A_61, %scan3A_126 = %scan3A_62) -> (i32, i32, i32, i32, i32)  : i32 {
        %eq3A_127 = arith.constant 0 : i32
        %eq3A_128 = arith.cmpi eq, %scan3A_121, %eq3A_127 : i32
        %eq3A_129 = arith.constant 2 : i32
        %eq3A_130 = arith.cmpi eq, %scan3A_121, %eq3A_129 : i32
        %add3A_131 = arith.addi %scan3A_126, %mul3A_6 : i32
        %sub3A_132 = arith.constant 1 : i32
        %sub3A_133 = arith.subi %scan3A_126, %sub3A_132 : i32
        %select_n3A_134 = arith.constant true
        %select_n3A_135 = arith.select %select_n3A_134, %sub3A_133, %scan3A_126 : i32
        %eq3A_136 = arith.constant -1 : i32
        %eq3A_137 = arith.cmpi eq, %select_n3A_135, %eq3A_136 : i32
        %select_n3A_138 = arith.constant 2 : i32
        %select_n3A_139 = arith.select %eq3A_137, %select_n3A_138, %select_n3A_135 : i32
        %add3A_140 = arith.addi %select_n3A_139, %mul3A_6 : i32
        %add3A_141 = arith.constant 1 : i32
        %add3A_142 = arith.addi %scan3A_126, %add3A_141 : i32
        %select_n3A_143 = arith.constant true
        %select_n3A_144 = arith.select %select_n3A_143, %add3A_142, %scan3A_126 : i32
        %eq3A_145 = arith.constant 3 : i32
        %eq3A_146 = arith.cmpi eq, %select_n3A_144, %eq3A_145 : i32
        %select_n3A_147 = arith.constant 0 : i32
        %select_n3A_148 = arith.select %eq3A_146, %select_n3A_147, %select_n3A_144 : i32
        %add3A_149 = arith.addi %select_n3A_148, %mul3A_6 : i32
        %add3A_150 = arith.constant 1 : i32
        %add3A_151 = arith.addi %select_n3A_148, %add3A_150 : i32
        %select_n3A_152 = arith.constant true
        %select_n3A_153 = arith.select %select_n3A_152, %add3A_151, %select_n3A_148 : i32
        %eq3A_154 = arith.constant 3 : i32
        %eq3A_155 = arith.cmpi eq, %select_n3A_153, %eq3A_154 : i32
        %select_n3A_156 = arith.constant 0 : i32
        %select_n3A_157 = arith.select %eq3A_155, %select_n3A_156, %select_n3A_153 : i32
        %add3A_158 = arith.addi %select_n3A_157, %mul3A_6 : i32
        %ne3A = arith.cmpi ne, %add3A_131, %add3A_149 : i32
        %or3A = arith.constant false
        %or3A_159 = arith.ori %or3A, %ne3A : i1
        %ge3A = arith.constant 2 : i32
        %ge3A_160 = arith.cmpi sge, %scan3A_121, %ge3A : i32
        %not3A = arith.constant true
        %not3A_161 = arith.xori %ge3A_160, %not3A : i1
        %and3A = arith.andi %or3A_159, %not3A_161 : i1
        %convert_element_type3A = arith.extui %and3A : i1 to i32
        %cond3A = arith.constant 0 : i32
        %cond3A_162 = arith.cmpi ne, %convert_element_type3A, %cond3A : i32
        scf.if %cond3A_162 {
          "tpu.trace_start"() <{level = 10 : i32, message = "ep_copy_in"}> : () -> ()
          %rem3A_264 = arith.constant 2 : i32
          %rem3A_265 = arith.remui %scan3A_122, %rem3A_264 : i32
          %mul3A_266 = arith.constant 128 : i32
          %mul3A_267 = arith.muli %mul3A_266, %add3A_149 : i32
          %dma_start3A_268 = arith.constant 0 : i32
          %dma_start3A_269 = arith.constant 0 : i32
          %dma_start3A_270 = tpu.memref_slice %run_scoped3A[%rem3A_265, %dma_start3A_268, %dma_start3A_269] : memref<2x1x128xi32, #tpu.memory_space<vmem>> -> memref<1x1x128xi32, #tpu.memory_space<vmem>>
          %dma_start3A_271 = tpu.memref_squeeze %dma_start3A_270 : memref<1x1x128xi32, #tpu.memory_space<vmem>> -> memref<1x128xi32, #tpu.memory_space<vmem>>
          %dma_start3A_272 = arith.constant 0 : i32
          %dma_start3A_273 = tpu.memref_slice %arg3[%dma_start3A_272, %mul3A_267] : memref<1x12288xi32, #tpu.memory_space<hbm>> -> memref<1x128xi32, #tpu.memory_space<hbm>>
          %dma_start3A_274 = tpu.memref_slice %run_scoped3A_7[%rem3A_265] : memref<2x!tpu.dma_semaphore, #tpu.memory_space<semaphore_mem>> -> memref<1x!tpu.dma_semaphore, #tpu.memory_space<semaphore_mem>>
          %dma_start3A_275 = tpu.memref_squeeze %dma_start3A_274 : memref<1x!tpu.dma_semaphore, #tpu.memory_space<semaphore_mem>> -> memref<!tpu.dma_semaphore, #tpu.memory_space<semaphore_mem>>
          %dma_start3A_276 = arith.constant 0 : i32
          %dma_start3A_277 = arith.constant 0 : i32
          %dma_start3A_278 = tpu.memref_slice %run_scoped3A[%rem3A_265, %dma_start3A_276, %dma_start3A_277] : memref<2x1x128xi32, #tpu.memory_space<vmem>> -> memref<1x1x128xi32, #tpu.memory_space<vmem>>
          %dma_start3A_279 = tpu.memref_squeeze %dma_start3A_278 : memref<1x1x128xi32, #tpu.memory_space<vmem>> -> memref<1x128xi32, #tpu.memory_space<vmem>>
          %dma_start3A_280 = arith.constant 0 : i32
          %dma_start3A_281 = tpu.memref_slice %arg3[%dma_start3A_280, %mul3A_267] : memref<1x12288xi32, #tpu.memory_space<hbm>> -> memref<1x128xi32, #tpu.memory_space<hbm>>
          tpu.enqueue_dma source(%dma_start3A_281 : memref<1x128xi32, #tpu.memory_space<hbm>>) target(%dma_start3A_279 : memref<1x128xi32, #tpu.memory_space<vmem>>) target_semaphore(%dma_start3A_275 : memref<!tpu.dma_semaphore, #tpu.memory_space<semaphore_mem>>)
          "tpu.trace_stop"() : () -> ()
        } else {
        }
        %and3A_163 = arith.constant true
        %and3A_164 = arith.andi %and3A, %and3A_163 : i1
        %add3A_165 = arith.constant 1 : i32
        %add3A_166 = arith.addi %scan3A_122, %add3A_165 : i32
        %select_n3A_167 = arith.select %and3A_164, %add3A_166, %scan3A_122 : i32
        %ne3A_168 = arith.cmpi ne, %add3A_131, %add3A_149 : i32
        %or3A_169 = arith.constant false
        %or3A_170 = arith.ori %or3A_169, %ne3A_168 : i1
        %or3A_171 = arith.constant false
        %or3A_172 = arith.ori %or3A_170, %or3A_171 : i1
        %ge3A_173 = arith.constant 2 : i32
        %ge3A_174 = arith.cmpi sge, %scan3A_121, %ge3A_173 : i32
        %not3A_175 = arith.constant true
        %not3A_176 = arith.xori %ge3A_174, %not3A_175 : i1
        %and3A_177 = arith.andi %or3A_172, %not3A_176 : i1
        %ne3A_178 = arith.cmpi ne, %add3A_131, %add3A_140 : i32
        %or3A_179 = arith.constant false
        %or3A_180 = arith.ori %or3A_179, %ne3A_178 : i1
        %or3A_181 = arith.ori %or3A_180, %eq3A_128 : i1
        %convert_element_type3A_182 = arith.extui %or3A_181 : i1 to i32
        %cond3A_183 = arith.constant 0 : i32
        %cond3A_184 = arith.cmpi ne, %convert_element_type3A_182, %cond3A_183 : i32
        scf.if %cond3A_184 {
          "tpu.trace_start"() <{level = 10 : i32, message = "ep_wait_in"}> : () -> ()
          %mul3A_264 = arith.constant 128 : i32
          %mul3A_265 = arith.muli %mul3A_264, %add3A_131 : i32
          %rem3A_266 = arith.constant 2 : i32
          %rem3A_267 = arith.remui %scan3A_123, %rem3A_266 : i32
          %dma_wait3A_268 = arith.constant 0 : i32
          %dma_wait3A_269 = arith.constant 0 : i32
          %dma_wait3A_270 = tpu.memref_slice %run_scoped3A[%rem3A_267, %dma_wait3A_268, %dma_wait3A_269] : memref<2x1x128xi32, #tpu.memory_space<vmem>> -> memref<1x1x128xi32, #tpu.memory_space<vmem>>
          %dma_wait3A_271 = tpu.memref_squeeze %dma_wait3A_270 : memref<1x1x128xi32, #tpu.memory_space<vmem>> -> memref<1x128xi32, #tpu.memory_space<vmem>>
          %dma_wait3A_272 = arith.constant 0 : i32
          %dma_wait3A_273 = tpu.memref_slice %arg3[%dma_wait3A_272, %mul3A_265] : memref<1x12288xi32, #tpu.memory_space<hbm>> -> memref<1x128xi32, #tpu.memory_space<hbm>>
          %dma_wait3A_274 = tpu.memref_slice %run_scoped3A_7[%rem3A_267] : memref<2x!tpu.dma_semaphore, #tpu.memory_space<semaphore_mem>> -> memref<1x!tpu.dma_semaphore, #tpu.memory_space<semaphore_mem>>
          %dma_wait3A_275 = tpu.memref_squeeze %dma_wait3A_274 : memref<1x!tpu.dma_semaphore, #tpu.memory_space<semaphore_mem>> -> memref<!tpu.dma_semaphore, #tpu.memory_space<semaphore_mem>>
          %dma_wait3A_276 = arith.constant 0 : i32
          %dma_wait3A_277 = arith.constant 0 : i32
          %dma_wait3A_278 = tpu.memref_slice %run_scoped3A[%rem3A_267, %dma_wait3A_276, %dma_wait3A_277] : memref<2x1x128xi32, #tpu.memory_space<vmem>> -> memref<1x1x128xi32, #tpu.memory_space<vmem>>
          %dma_wait3A_279 = tpu.memref_squeeze %dma_wait3A_278 : memref<1x1x128xi32, #tpu.memory_space<vmem>> -> memref<1x128xi32, #tpu.memory_space<vmem>>
          %dma_wait3A_280 = arith.constant 0 : i32
          %dma_wait3A_281 = tpu.memref_slice %arg3[%dma_wait3A_280, %mul3A_265] : memref<1x12288xi32, #tpu.memory_space<hbm>> -> memref<1x128xi32, #tpu.memory_space<hbm>>
          tpu.wait_dma2 semaphore(%dma_wait3A_275 : memref<!tpu.dma_semaphore, #tpu.memory_space<semaphore_mem>>) src(%dma_wait3A_281 : memref<1x128xi32, #tpu.memory_space<hbm>>) dst(%dma_wait3A_279 : memref<1x128xi32, #tpu.memory_space<vmem>>)
          "tpu.trace_stop"() : () -> ()
        } else {
        }
        %ne3A_185 = arith.cmpi ne, %add3A_131, %add3A_140 : i32
        %or3A_186 = arith.constant false
        %or3A_187 = arith.ori %or3A_186, %ne3A_185 : i1
        %or3A_188 = arith.constant false
        %or3A_189 = arith.ori %or3A_187, %or3A_188 : i1
        %or3A_190 = arith.ori %or3A_189, %eq3A_128 : i1
        %convert_element_type3A_191 = arith.extui %or3A_190 : i1 to i32
        %cond3A_192 = arith.constant 0 : i32
        %cond3A_193 = arith.cmpi ne, %convert_element_type3A_191, %cond3A_192 : i32
        scf.if %cond3A_193 {
        } else {
        }
        %rem3A_194 = arith.constant 2 : i32
        %rem3A_195 = arith.remui %scan3A_123, %rem3A_194 : i32
        %rem3A_196 = arith.constant 2 : i32
        %rem3A_197 = arith.remui %scan3A_124, %rem3A_196 : i32
        %run_scoped3A_198 = arith.constant 0 : i32
        "tpu.trace_start"() <{level = 10 : i32, message = "ep_run_kernel"}> : () -> ()
        "tpu.region"() ({
          %run_scoped3A_264 = tpu.sem_alloc : memref<!tpu.dma_semaphore, #tpu.memory_space<semaphore_mem>>
          %dma_start3A_265 = arith.constant 0 : i32
          %dma_start3A_266 = arith.constant 0 : i32
          %dma_start3A_267 = tpu.memref_slice %run_scoped3A_8[%rem3A_197, %dma_start3A_265, %dma_start3A_266] : memref<2x128x128xf32, #tpu.memory_space<vmem>> -> memref<1x128x128xf32, #tpu.memory_space<vmem>>
          %dma_start3A_268 = tpu.memref_squeeze %dma_start3A_267 : memref<1x128x128xf32, #tpu.memory_space<vmem>> -> memref<128x128xf32, #tpu.memory_space<vmem>>
          %dma_start3A_269 = arith.constant 0 : i32
          %dma_start3A_270 = arith.constant 0 : i32
          %dma_start3A_271 = tpu.memref_slice %run_scoped3A[%rem3A_195, %dma_start3A_269, %dma_start3A_270] : memref<2x1x128xi32, #tpu.memory_space<vmem>> -> memref<1x1x128xi32, #tpu.memory_space<vmem>>
          %dma_start3A_272 = tpu.memref_squeeze %dma_start3A_271 : memref<1x1x128xi32, #tpu.memory_space<vmem>> -> memref<1x128xi32, #tpu.memory_space<vmem>>
          %dma_start3A_273 = arith.constant 0 : i32
          %dma_start3A_274 = tpu.memref_slice %dma_start3A_272[%run_scoped3A_198, %dma_start3A_273] : memref<1x128xi32, #tpu.memory_space<vmem>> -> memref<1x128xi32, #tpu.memory_space<vmem>>
          %dma_start3A_275 = tpu.memref_squeeze %dma_start3A_274 : memref<1x128xi32, #tpu.memory_space<vmem>> -> memref<128xi32, #tpu.memory_space<vmem>>
          %dma_start3A_276 = arith.constant 0 : i32
          %dma_start3A_277 = arith.constant 0 : i32
          %dma_start3A_278 = tpu.memref_slice %arg2[%dma_start3A_276, %dma_start3A_277] : memref<24576x128xf32, #tpu.memory_space<hbm>> -> memref<24576x128xf32, #tpu.memory_space<hbm>>
          tpu.enqueue_indirect_dma source(%dma_start3A_278 : memref<24576x128xf32, #tpu.memory_space<hbm>>) target(%dma_start3A_268 : memref<128x128xf32, #tpu.memory_space<vmem>>) offsets(%dma_start3A_275 : memref<128xi32, #tpu.memory_space<vmem>>) semaphore(%run_scoped3A_264 : memref<!tpu.dma_semaphore, #tpu.memory_space<semaphore_mem>>)
          %dma_wait3A_279 = arith.constant 0 : i32
          %dma_wait3A_280 = arith.constant 0 : i32
          %dma_wait3A_281 = tpu.memref_slice %run_scoped3A_8[%rem3A_197, %dma_wait3A_279, %dma_wait3A_280] : memref<2x128x128xf32, #tpu.memory_space<vmem>> -> memref<1x128x128xf32, #tpu.memory_space<vmem>>
          %dma_wait3A_282 = tpu.memref_squeeze %dma_wait3A_281 : memref<1x128x128xf32, #tpu.memory_space<vmem>> -> memref<128x128xf32, #tpu.memory_space<vmem>>
          %dma_wait3A_283 = arith.constant 0 : i32
          %dma_wait3A_284 = arith.constant 0 : i32
          %dma_wait3A_285 = tpu.memref_slice %run_scoped3A[%rem3A_195, %dma_wait3A_283, %dma_wait3A_284] : memref<2x1x128xi32, #tpu.memory_space<vmem>> -> memref<1x1x128xi32, #tpu.memory_space<vmem>>
          %dma_wait3A_286 = tpu.memref_squeeze %dma_wait3A_285 : memref<1x1x128xi32, #tpu.memory_space<vmem>> -> memref<1x128xi32, #tpu.memory_space<vmem>>
          %dma_wait3A_287 = arith.constant 0 : i32
          %dma_wait3A_288 = tpu.memref_slice %dma_wait3A_286[%run_scoped3A_198, %dma_wait3A_287] : memref<1x128xi32, #tpu.memory_space<vmem>> -> memref<1x128xi32, #tpu.memory_space<vmem>>
          %dma_wait3A_289 = tpu.memref_squeeze %dma_wait3A_288 : memref<1x128xi32, #tpu.memory_space<vmem>> -> memref<128xi32, #tpu.memory_space<vmem>>
          %dma_wait3A_290 = arith.constant 0 : i32
          %dma_wait3A_291 = arith.constant 0 : i32
          %dma_wait3A_292 = tpu.memref_slice %arg2[%dma_wait3A_290, %dma_wait3A_291] : memref<24576x128xf32, #tpu.memory_space<hbm>> -> memref<24576x128xf32, #tpu.memory_space<hbm>>
          tpu.wait_indirect_dma semaphore(%run_scoped3A_264 : memref<!tpu.dma_semaphore, #tpu.memory_space<semaphore_mem>>) src(%dma_wait3A_292 : memref<24576x128xf32, #tpu.memory_space<hbm>>) dst(%dma_wait3A_282 : memref<128x128xf32, #tpu.memory_space<vmem>>)
          tpu.yield
        }) : () -> ()
        "tpu.trace_stop"() : () -> ()
        %ne3A_199 = arith.cmpi ne, %add3A_131, %add3A_149 : i32
        %or3A_200 = arith.constant false
        %or3A_201 = arith.ori %or3A_200, %ne3A_199 : i1
        %or3A_202 = arith.ori %or3A_201, %eq3A_130 : i1
        %convert_element_type3A_203 = arith.extui %or3A_202 : i1 to i32
        %cond3A_204 = arith.constant 0 : i32
        %cond3A_205 = arith.cmpi ne, %convert_element_type3A_203, %cond3A_204 : i32
        scf.if %cond3A_205 {
        } else {
        }
        %and3A_206 = arith.constant false
        %and3A_207 = arith.andi %or3A_202, %and3A_206 : i1
        %ne3A_208 = arith.cmpi ne, %add3A_131, %add3A_149 : i32
        %or3A_209 = arith.constant false
        %or3A_210 = arith.ori %or3A_209, %ne3A_208 : i1
        %or3A_211 = arith.constant false
        %or3A_212 = arith.ori %or3A_210, %or3A_211 : i1
        %or3A_213 = arith.ori %or3A_212, %eq3A_130 : i1
        %convert_element_type3A_214 = arith.extui %or3A_213 : i1 to i32
        %cond3A_215 = arith.constant 0 : i32
        %cond3A_216 = arith.cmpi ne, %convert_element_type3A_214, %cond3A_215 : i32
        scf.if %cond3A_216 {
          "tpu.trace_start"() <{level = 10 : i32, message = "ep_copy_out"}> : () -> ()
          %rem3A_264 = arith.constant 2 : i32
          %rem3A_265 = arith.remui %scan3A_124, %rem3A_264 : i32
          %mul3A_266 = arith.constant 128 : i32
          %mul3A_267 = arith.muli %mul3A_266, %add3A_131 : i32
          %dma_start3A_268 = arith.constant 0 : i32
          %dma_start3A_269 = arith.constant 0 : i32
          %dma_start3A_270 = tpu.memref_slice %run_scoped3A_8[%rem3A_265, %dma_start3A_268, %dma_start3A_269] : memref<2x128x128xf32, #tpu.memory_space<vmem>> -> memref<1x128x128xf32, #tpu.memory_space<vmem>>
          %dma_start3A_271 = tpu.memref_squeeze %dma_start3A_270 : memref<1x128x128xf32, #tpu.memory_space<vmem>> -> memref<128x128xf32, #tpu.memory_space<vmem>>
          %dma_start3A_272 = arith.constant 0 : i32
          %dma_start3A_273 = tpu.memref_slice %arg4[%mul3A_267, %dma_start3A_272] : memref<12288x128xf32, #tpu.memory_space<hbm>> -> memref<128x128xf32, #tpu.memory_space<hbm>>
          %dma_start3A_274 = tpu.memref_slice %run_scoped3A_9[%rem3A_265] : memref<2x!tpu.dma_semaphore, #tpu.memory_space<semaphore_mem>> -> memref<1x!tpu.dma_semaphore, #tpu.memory_space<semaphore_mem>>
          %dma_start3A_275 = tpu.memref_squeeze %dma_start3A_274 : memref<1x!tpu.dma_semaphore, #tpu.memory_space<semaphore_mem>> -> memref<!tpu.dma_semaphore, #tpu.memory_space<semaphore_mem>>
          %dma_start3A_276 = arith.constant 0 : i32
          %dma_start3A_277 = tpu.memref_slice %arg4[%mul3A_267, %dma_start3A_276] : memref<12288x128xf32, #tpu.memory_space<hbm>> -> memref<128x128xf32, #tpu.memory_space<hbm>>
          %dma_start3A_278 = arith.constant 0 : i32
          %dma_start3A_279 = arith.constant 0 : i32
          %dma_start3A_280 = tpu.memref_slice %run_scoped3A_8[%rem3A_265, %dma_start3A_278, %dma_start3A_279] : memref<2x128x128xf32, #tpu.memory_space<vmem>> -> memref<1x128x128xf32, #tpu.memory_space<vmem>>
          %dma_start3A_281 = tpu.memref_squeeze %dma_start3A_280 : memref<1x128x128xf32, #tpu.memory_space<vmem>> -> memref<128x128xf32, #tpu.memory_space<vmem>>
          tpu.enqueue_dma source(%dma_start3A_281 : memref<128x128xf32, #tpu.memory_space<vmem>>) target(%dma_start3A_277 : memref<128x128xf32, #tpu.memory_space<hbm>>) target_semaphore(%dma_start3A_275 : memref<!tpu.dma_semaphore, #tpu.memory_space<semaphore_mem>>)
          "tpu.trace_stop"() : () -> ()
        } else {
        }
        %and3A_217 = arith.constant true
        %and3A_218 = arith.andi %or3A_213, %and3A_217 : i1
        %add3A_219 = arith.constant 1 : i32
        %add3A_220 = arith.addi %scan3A_124, %add3A_219 : i32
        %select_n3A_221 = arith.select %and3A_218, %add3A_220, %scan3A_124 : i32
        %ne3A_222 = arith.cmpi ne, %add3A_131, %add3A_140 : i32
        %or3A_223 = arith.constant false
        %or3A_224 = arith.ori %or3A_223, %ne3A_222 : i1
        %not3A_225 = arith.constant true
        %not3A_226 = arith.xori %eq3A_128, %not3A_225 : i1
        %and3A_227 = arith.andi %or3A_224, %not3A_226 : i1
        %convert_element_type3A_228 = arith.extui %and3A_227 : i1 to i32
        %cond3A_229 = arith.constant 0 : i32
        %cond3A_230 = arith.cmpi ne, %convert_element_type3A_228, %cond3A_229 : i32
        scf.if %cond3A_230 {
        } else {
        }
        %and3A_231 = arith.constant false
        %and3A_232 = arith.andi %and3A_227, %and3A_231 : i1
        %ne3A_233 = arith.cmpi ne, %add3A_131, %add3A_140 : i32
        %or3A_234 = arith.constant false
        %or3A_235 = arith.ori %or3A_234, %ne3A_233 : i1
        %or3A_236 = arith.constant false
        %or3A_237 = arith.ori %or3A_235, %or3A_236 : i1
        %not3A_238 = arith.constant true
        %not3A_239 = arith.xori %eq3A_128, %not3A_238 : i1
        %and3A_240 = arith.andi %or3A_237, %not3A_239 : i1
        %convert_element_type3A_241 = arith.extui %and3A_240 : i1 to i32
        %cond3A_242 = arith.constant 0 : i32
        %cond3A_243 = arith.cmpi ne, %convert_element_type3A_241, %cond3A_242 : i32
        scf.if %cond3A_243 {
          "tpu.trace_start"() <{level = 10 : i32, message = "ep_wait_out"}> : () -> ()
          %rem3A_264 = arith.constant 2 : i32
          %rem3A_265 = arith.remui %scan3A_125, %rem3A_264 : i32
          %mul3A_266 = arith.constant 128 : i32
          %mul3A_267 = arith.muli %mul3A_266, %add3A_140 : i32
          %dma_wait3A_268 = arith.constant 0 : i32
          %dma_wait3A_269 = arith.constant 0 : i32
          %dma_wait3A_270 = tpu.memref_slice %run_scoped3A_8[%rem3A_265, %dma_wait3A_268, %dma_wait3A_269] : memref<2x128x128xf32, #tpu.memory_space<vmem>> -> memref<1x128x128xf32, #tpu.memory_space<vmem>>
          %dma_wait3A_271 = tpu.memref_squeeze %dma_wait3A_270 : memref<1x128x128xf32, #tpu.memory_space<vmem>> -> memref<128x128xf32, #tpu.memory_space<vmem>>
          %dma_wait3A_272 = arith.constant 0 : i32
          %dma_wait3A_273 = tpu.memref_slice %arg4[%mul3A_267, %dma_wait3A_272] : memref<12288x128xf32, #tpu.memory_space<hbm>> -> memref<128x128xf32, #tpu.memory_space<hbm>>
          %dma_wait3A_274 = tpu.memref_slice %run_scoped3A_9[%rem3A_265] : memref<2x!tpu.dma_semaphore, #tpu.memory_space<semaphore_mem>> -> memref<1x!tpu.dma_semaphore, #tpu.memory_space<semaphore_mem>>
          %dma_wait3A_275 = tpu.memref_squeeze %dma_wait3A_274 : memref<1x!tpu.dma_semaphore, #tpu.memory_space<semaphore_mem>> -> memref<!tpu.dma_semaphore, #tpu.memory_space<semaphore_mem>>
          %dma_wait3A_276 = arith.constant 0 : i32
          %dma_wait3A_277 = tpu.memref_slice %arg4[%mul3A_267, %dma_wait3A_276] : memref<12288x128xf32, #tpu.memory_space<hbm>> -> memref<128x128xf32, #tpu.memory_space<hbm>>
          %dma_wait3A_278 = arith.constant 0 : i32
          %dma_wait3A_279 = arith.constant 0 : i32
          %dma_wait3A_280 = tpu.memref_slice %run_scoped3A_8[%rem3A_265, %dma_wait3A_278, %dma_wait3A_279] : memref<2x128x128xf32, #tpu.memory_space<vmem>> -> memref<1x128x128xf32, #tpu.memory_space<vmem>>
          %dma_wait3A_281 = tpu.memref_squeeze %dma_wait3A_280 : memref<1x128x128xf32, #tpu.memory_space<vmem>> -> memref<128x128xf32, #tpu.memory_space<vmem>>
          tpu.wait_dma2 semaphore(%dma_wait3A_275 : memref<!tpu.dma_semaphore, #tpu.memory_space<semaphore_mem>>) src(%dma_wait3A_281 : memref<128x128xf32, #tpu.memory_space<vmem>>) dst(%dma_wait3A_277 : memref<128x128xf32, #tpu.memory_space<hbm>>)
          "tpu.trace_stop"() : () -> ()
        } else {
        }
        %and3A_244 = arith.constant true
        %and3A_245 = arith.andi %and3A_240, %and3A_244 : i1
        %add3A_246 = arith.constant 1 : i32
        %add3A_247 = arith.addi %scan3A_125, %add3A_246 : i32
        %select_n3A_248 = arith.select %and3A_245, %add3A_247, %scan3A_125 : i32
        %ne3A_249 = arith.cmpi ne, %add3A_131, %add3A_149 : i32
        %or3A_250 = arith.constant false
        %or3A_251 = arith.ori %or3A_250, %ne3A_249 : i1
        %or3A_252 = arith.ori %or3A_251, %eq3A_130 : i1
        %add3A_253 = arith.constant 1 : i32
        %add3A_254 = arith.addi %scan3A_123, %add3A_253 : i32
        %select_n3A_255 = arith.select %or3A_252, %add3A_254, %scan3A_123 : i32
        %add3A_256 = arith.constant 1 : i32
        %add3A_257 = arith.addi %scan3A_126, %add3A_256 : i32
        %select_n3A_258 = arith.constant true
        %select_n3A_259 = arith.select %select_n3A_258, %add3A_257, %scan3A_126 : i32
        %eq3A_260 = arith.constant 3 : i32
        %eq3A_261 = arith.cmpi eq, %select_n3A_259, %eq3A_260 : i32
        %select_n3A_262 = arith.constant 0 : i32
        %select_n3A_263 = arith.select %eq3A_261, %select_n3A_262, %select_n3A_259 : i32
        scf.yield %select_n3A_167, %select_n3A_255, %select_n3A_221, %select_n3A_248, %select_n3A_263 : i32, i32, i32, i32, i32
      }
      %scan3A_68 = arith.constant 3 : i32
      %sub3A = arith.constant 1 : i32
      %sub3A_69 = arith.subi %scan3A_67#4, %sub3A : i32
      %select_n3A_70 = arith.constant true
      %select_n3A_71 = arith.select %select_n3A_70, %sub3A_69, %scan3A_67#4 : i32
      %eq3A_72 = arith.constant -1 : i32
      %eq3A_73 = arith.cmpi eq, %select_n3A_71, %eq3A_72 : i32
      %select_n3A_74 = arith.constant 2 : i32
      %select_n3A_75 = arith.select %eq3A_73, %select_n3A_74, %select_n3A_71 : i32
      %add3A_76 = arith.addi %select_n3A_75, %mul3A_6 : i32
      %sub3A_77 = arith.constant 1 : i32
      %sub3A_78 = arith.subi %select_n3A_75, %sub3A_77 : i32
      %select_n3A_79 = arith.constant true
      %select_n3A_80 = arith.select %select_n3A_79, %sub3A_78, %select_n3A_75 : i32
      %eq3A_81 = arith.constant -1 : i32
      %eq3A_82 = arith.cmpi eq, %select_n3A_80, %eq3A_81 : i32
      %select_n3A_83 = arith.constant 2 : i32
      %select_n3A_84 = arith.select %eq3A_82, %select_n3A_83, %select_n3A_80 : i32
      %add3A_85 = arith.addi %select_n3A_84, %mul3A_6 : i32
      %add3A_86 = arith.constant 1 : i32
      %add3A_87 = arith.addi %select_n3A_75, %add3A_86 : i32
      %select_n3A_88 = arith.constant true
      %select_n3A_89 = arith.select %select_n3A_88, %add3A_87, %select_n3A_75 : i32
      %eq3A_90 = arith.constant 3 : i32
      %eq3A_91 = arith.cmpi eq, %select_n3A_89, %eq3A_90 : i32
      %select_n3A_92 = arith.constant 0 : i32
      %select_n3A_93 = arith.select %eq3A_91, %select_n3A_92, %select_n3A_89 : i32
      %add3A_94 = arith.addi %select_n3A_93, %mul3A_6 : i32
      %add3A_95 = arith.constant 1 : i32
      %add3A_96 = arith.addi %select_n3A_93, %add3A_95 : i32
      %select_n3A_97 = arith.constant true
      %select_n3A_98 = arith.select %select_n3A_97, %add3A_96, %select_n3A_93 : i32
      %eq3A_99 = arith.constant 3 : i32
      %eq3A_100 = arith.cmpi eq, %select_n3A_98, %eq3A_99 : i32
      %select_n3A_101 = arith.constant 0 : i32
      %select_n3A_102 = arith.select %eq3A_100, %select_n3A_101, %select_n3A_98 : i32
      %add3A_103 = arith.addi %select_n3A_102, %mul3A_6 : i32
      "tpu.trace_start"() <{level = 10 : i32, message = "ep_finalize"}> : () -> ()
      %rem3A_104 = arith.constant 2 : i32
      %rem3A_105 = arith.remui %scan3A_67#3, %rem3A_104 : i32
      %mul3A_106 = arith.constant 128 : i32
      %mul3A_107 = arith.muli %mul3A_106, %add3A_76 : i32
      %dma_wait3A = arith.constant 0 : i32
      %dma_wait3A_108 = arith.constant 0 : i32
      %dma_wait3A_109 = tpu.memref_slice %run_scoped3A_8[%rem3A_105, %dma_wait3A, %dma_wait3A_108] : memref<2x128x128xf32, #tpu.memory_space<vmem>> -> memref<1x128x128xf32, #tpu.memory_space<vmem>>
      %dma_wait3A_110 = tpu.memref_squeeze %dma_wait3A_109 : memref<1x128x128xf32, #tpu.memory_space<vmem>> -> memref<128x128xf32, #tpu.memory_space<vmem>>
      %dma_wait3A_111 = arith.constant 0 : i32
      %dma_wait3A_112 = tpu.memref_slice %arg4[%mul3A_107, %dma_wait3A_111] : memref<12288x128xf32, #tpu.memory_space<hbm>> -> memref<128x128xf32, #tpu.memory_space<hbm>>
      %dma_wait3A_113 = tpu.memref_slice %run_scoped3A_9[%rem3A_105] : memref<2x!tpu.dma_semaphore, #tpu.memory_space<semaphore_mem>> -> memref<1x!tpu.dma_semaphore, #tpu.memory_space<semaphore_mem>>
      %dma_wait3A_114 = tpu.memref_squeeze %dma_wait3A_113 : memref<1x!tpu.dma_semaphore, #tpu.memory_space<semaphore_mem>> -> memref<!tpu.dma_semaphore, #tpu.memory_space<semaphore_mem>>
      %dma_wait3A_115 = arith.constant 0 : i32
      %dma_wait3A_116 = tpu.memref_slice %arg4[%mul3A_107, %dma_wait3A_115] : memref<12288x128xf32, #tpu.memory_space<hbm>> -> memref<128x128xf32, #tpu.memory_space<hbm>>
      %dma_wait3A_117 = arith.constant 0 : i32
      %dma_wait3A_118 = arith.constant 0 : i32
      %dma_wait3A_119 = tpu.memref_slice %run_scoped3A_8[%rem3A_105, %dma_wait3A_117, %dma_wait3A_118] : memref<2x128x128xf32, #tpu.memory_space<vmem>> -> memref<1x128x128xf32, #tpu.memory_space<vmem>>
      %dma_wait3A_120 = tpu.memref_squeeze %dma_wait3A_119 : memref<1x128x128xf32, #tpu.memory_space<vmem>> -> memref<128x128xf32, #tpu.memory_space<vmem>>
      tpu.wait_dma2 semaphore(%dma_wait3A_114 : memref<!tpu.dma_semaphore, #tpu.memory_space<semaphore_mem>>) src(%dma_wait3A_120 : memref<128x128xf32, #tpu.memory_space<vmem>>) dst(%dma_wait3A_116 : memref<128x128xf32, #tpu.memory_space<hbm>>)
      "tpu.trace_stop"() : () -> ()
      tpu.yield
    }) : () -> ()
    return
  }
}

#map = affine_map<(d0, d1) -> (0, 0)>
module attributes {stable_mosaic.version = 14 : i64} {
  func.func @kern(%arg0: i32, %arg1: i32, %arg2: memref<12288x128xf32, #tpu.memory_space<hbm>>, %arg3: memref<1x12288xi32, #tpu.memory_space<hbm>>, %arg4: memref<24960x128xf32, #tpu.memory_space<hbm>>) attributes {dimension_semantics = [#tpu.dimension_semantics<core_parallel>, #tpu.dimension_semantics<subcore_parallel>], iteration_bounds = array<i64: 2, 16>, scalar_prefetch = 0 : i64, scratch_operands = 0 : i64, tpu.core_type = #tpu.core_type<sc_vector_subcore>, window_params = [{transform_indices = #map}, {transform_indices = #map}, {transform_indices = #map}]} {
    %mul3A = arith.constant 1 : i32
    %mul3A_0 = arith.muli %arg1, %mul3A : i32
    %add3A = arith.constant 0 : i32
    %add3A_1 = arith.addi %add3A, %mul3A_0 : i32
    %mul3A_2 = arith.constant 16 : i32
    %mul3A_3 = arith.muli %arg0, %mul3A_2 : i32
    %add3A_4 = arith.addi %add3A_1, %mul3A_3 : i32
    %mul3A_5 = arith.constant 3 : i32
    %mul3A_6 = arith.muli %add3A_4, %mul3A_5 : i32
    "tpu.region"() ({
      %run_scoped3A = memref.alloca() : memref<2x128x128xf32, #tpu.memory_space<vmem>>
      %run_scoped3A_7 = tpu.sem_alloc : memref<2x!tpu.dma_semaphore, #tpu.memory_space<semaphore_mem>>
      %run_scoped3A_8 = memref.alloca() : memref<2x1x128xi32, #tpu.memory_space<vmem>>
      %run_scoped3A_9 = tpu.sem_alloc : memref<2x!tpu.dma_semaphore, #tpu.memory_space<semaphore_mem>>
      %add3A_10 = arith.constant 0 : i32
      %add3A_11 = arith.addi %add3A_10, %mul3A_6 : i32
      %select_n3A = arith.constant true
      %select_n3A_12 = arith.constant 0 : i32
      %select_n3A_13 = arith.constant -1 : i32
      %select_n3A_14 = arith.select %select_n3A, %select_n3A_13, %select_n3A_12 : i32
      %eq3A = arith.constant -1 : i32
      %eq3A_15 = arith.cmpi eq, %select_n3A_14, %eq3A : i32
      %select_n3A_16 = arith.constant 2 : i32
      %select_n3A_17 = arith.select %eq3A_15, %select_n3A_16, %select_n3A_14 : i32
      %add3A_18 = arith.addi %select_n3A_17, %mul3A_6 : i32
      %select_n3A_19 = arith.constant true
      %select_n3A_20 = arith.constant 0 : i32
      %select_n3A_21 = arith.constant 1 : i32
      %select_n3A_22 = arith.select %select_n3A_19, %select_n3A_21, %select_n3A_20 : i32
      %eq3A_23 = arith.constant 3 : i32
      %eq3A_24 = arith.cmpi eq, %select_n3A_22, %eq3A_23 : i32
      %select_n3A_25 = arith.constant 0 : i32
      %select_n3A_26 = arith.select %eq3A_24, %select_n3A_25, %select_n3A_22 : i32
      %add3A_27 = arith.addi %select_n3A_26, %mul3A_6 : i32
      %add3A_28 = arith.constant 1 : i32
      %add3A_29 = arith.addi %select_n3A_26, %add3A_28 : i32
      %select_n3A_30 = arith.constant true
      %select_n3A_31 = arith.select %select_n3A_30, %add3A_29, %select_n3A_26 : i32
      %eq3A_32 = arith.constant 3 : i32
      %eq3A_33 = arith.cmpi eq, %select_n3A_31, %eq3A_32 : i32
      %select_n3A_34 = arith.constant 0 : i32
      %select_n3A_35 = arith.select %eq3A_33, %select_n3A_34, %select_n3A_31 : i32
      %add3A_36 = arith.addi %select_n3A_35, %mul3A_6 : i32
      "tpu.trace_start"() <{level = 10 : i32, message = "ep_initialize_0"}> : () -> ()
      %rem3A = arith.constant 0 : i32
      %rem3A_37 = arith.constant 2 : i32
      %rem3A_38 = arith.remui %rem3A, %rem3A_37 : i32
      %mul3A_39 = arith.constant 128 : i32
      %mul3A_40 = arith.muli %mul3A_39, %add3A_11 : i32
      %dma_start3A = arith.constant 0 : i32
      %dma_start3A_41 = arith.constant 0 : i32
      %dma_start3A_42 = tpu.memref_slice %run_scoped3A[%rem3A_38, %dma_start3A, %dma_start3A_41] : memref<2x128x128xf32, #tpu.memory_space<vmem>> -> memref<1x128x128xf32, #tpu.memory_space<vmem>>
      %dma_start3A_43 = tpu.memref_squeeze %dma_start3A_42 : memref<1x128x128xf32, #tpu.memory_space<vmem>> -> memref<128x128xf32, #tpu.memory_space<vmem>>
      %dma_start3A_44 = arith.constant 0 : i32
      %dma_start3A_45 = tpu.memref_slice %arg2[%mul3A_40, %dma_start3A_44] : memref<12288x128xf32, #tpu.memory_space<hbm>> -> memref<128x128xf32, #tpu.memory_space<hbm>>
      %dma_start3A_46 = tpu.memref_slice %run_scoped3A_7[%rem3A_38] : memref<2x!tpu.dma_semaphore, #tpu.memory_space<semaphore_mem>> -> memref<1x!tpu.dma_semaphore, #tpu.memory_space<semaphore_mem>>
      %dma_start3A_47 = tpu.memref_squeeze %dma_start3A_46 : memref<1x!tpu.dma_semaphore, #tpu.memory_space<semaphore_mem>> -> memref<!tpu.dma_semaphore, #tpu.memory_space<semaphore_mem>>
      %dma_start3A_48 = arith.constant 0 : i32
      %dma_start3A_49 = arith.constant 0 : i32
      %dma_start3A_50 = tpu.memref_slice %run_scoped3A[%rem3A_38, %dma_start3A_48, %dma_start3A_49] : memref<2x128x128xf32, #tpu.memory_space<vmem>> -> memref<1x128x128xf32, #tpu.memory_space<vmem>>
      %dma_start3A_51 = tpu.memref_squeeze %dma_start3A_50 : memref<1x128x128xf32, #tpu.memory_space<vmem>> -> memref<128x128xf32, #tpu.memory_space<vmem>>
      %dma_start3A_52 = arith.constant 0 : i32
      %dma_start3A_53 = tpu.memref_slice %arg2[%mul3A_40, %dma_start3A_52] : memref<12288x128xf32, #tpu.memory_space<hbm>> -> memref<128x128xf32, #tpu.memory_space<hbm>>
      tpu.enqueue_dma source(%dma_start3A_53 : memref<128x128xf32, #tpu.memory_space<hbm>>) target(%dma_start3A_51 : memref<128x128xf32, #tpu.memory_space<vmem>>) target_semaphore(%dma_start3A_47 : memref<!tpu.dma_semaphore, #tpu.memory_space<semaphore_mem>>)
      %add3A_54 = arith.constant 0 : i32
      %add3A_55 = arith.constant 1 : i32
      %add3A_56 = arith.addi %add3A_54, %add3A_55 : i32
      %select_n3A_57 = arith.constant true
      %select_n3A_58 = arith.constant 0 : i32
      %select_n3A_59 = arith.select %select_n3A_57, %add3A_56, %select_n3A_58 : i32
      %rem3A_60 = arith.constant 0 : i32
      %rem3A_61 = arith.constant 2 : i32
      %rem3A_62 = arith.remui %rem3A_60, %rem3A_61 : i32
      %mul3A_63 = arith.constant 128 : i32
      %mul3A_64 = arith.muli %mul3A_63, %add3A_11 : i32
      %dma_start3A_65 = arith.constant 0 : i32
      %dma_start3A_66 = arith.constant 0 : i32
      %dma_start3A_67 = tpu.memref_slice %run_scoped3A_8[%rem3A_62, %dma_start3A_65, %dma_start3A_66] : memref<2x1x128xi32, #tpu.memory_space<vmem>> -> memref<1x1x128xi32, #tpu.memory_space<vmem>>
      %dma_start3A_68 = tpu.memref_squeeze %dma_start3A_67 : memref<1x1x128xi32, #tpu.memory_space<vmem>> -> memref<1x128xi32, #tpu.memory_space<vmem>>
      %dma_start3A_69 = arith.constant 0 : i32
      %dma_start3A_70 = tpu.memref_slice %arg3[%dma_start3A_69, %mul3A_64] : memref<1x12288xi32, #tpu.memory_space<hbm>> -> memref<1x128xi32, #tpu.memory_space<hbm>>
      %dma_start3A_71 = tpu.memref_slice %run_scoped3A_9[%rem3A_62] : memref<2x!tpu.dma_semaphore, #tpu.memory_space<semaphore_mem>> -> memref<1x!tpu.dma_semaphore, #tpu.memory_space<semaphore_mem>>
      %dma_start3A_72 = tpu.memref_squeeze %dma_start3A_71 : memref<1x!tpu.dma_semaphore, #tpu.memory_space<semaphore_mem>> -> memref<!tpu.dma_semaphore, #tpu.memory_space<semaphore_mem>>
      %dma_start3A_73 = arith.constant 0 : i32
      %dma_start3A_74 = arith.constant 0 : i32
      %dma_start3A_75 = tpu.memref_slice %run_scoped3A_8[%rem3A_62, %dma_start3A_73, %dma_start3A_74] : memref<2x1x128xi32, #tpu.memory_space<vmem>> -> memref<1x1x128xi32, #tpu.memory_space<vmem>>
      %dma_start3A_76 = tpu.memref_squeeze %dma_start3A_75 : memref<1x1x128xi32, #tpu.memory_space<vmem>> -> memref<1x128xi32, #tpu.memory_space<vmem>>
      %dma_start3A_77 = arith.constant 0 : i32
      %dma_start3A_78 = tpu.memref_slice %arg3[%dma_start3A_77, %mul3A_64] : memref<1x12288xi32, #tpu.memory_space<hbm>> -> memref<1x128xi32, #tpu.memory_space<hbm>>
      tpu.enqueue_dma source(%dma_start3A_78 : memref<1x128xi32, #tpu.memory_space<hbm>>) target(%dma_start3A_76 : memref<1x128xi32, #tpu.memory_space<vmem>>) target_semaphore(%dma_start3A_72 : memref<!tpu.dma_semaphore, #tpu.memory_space<semaphore_mem>>)
      %add3A_79 = arith.constant 0 : i32
      %add3A_80 = arith.constant 1 : i32
      %add3A_81 = arith.addi %add3A_79, %add3A_80 : i32
      %select_n3A_82 = arith.constant true
      %select_n3A_83 = arith.constant 0 : i32
      %select_n3A_84 = arith.select %select_n3A_82, %add3A_81, %select_n3A_83 : i32
      "tpu.trace_stop"() : () -> ()
      %scan3A = arith.constant 0 : i32
      %scan3A_85 = arith.constant 0 : i32
      %scan3A_86 = arith.constant 0 : i32
      %scan3A_87 = arith.constant 0 : i32
      %scan3A_88 = arith.constant 3 : i32
      %scan3A_89 = arith.addi %scan3A_87, %scan3A_88 : i32
      %scan3A_90 = arith.constant 1 : i32
      %scan3A_91:5 = scf.for %scan3A_128 = %scan3A_87 to %scan3A_89 step %scan3A_90 iter_args(%scan3A_129 = %select_n3A_59, %scan3A_130 = %scan3A, %scan3A_131 = %select_n3A_84, %scan3A_132 = %scan3A_85, %scan3A_133 = %scan3A_86) -> (i32, i32, i32, i32, i32)  : i32 {
        %eq3A_134 = arith.constant 0 : i32
        %eq3A_135 = arith.cmpi eq, %scan3A_128, %eq3A_134 : i32
        %eq3A_136 = arith.constant 2 : i32
        %eq3A_137 = arith.cmpi eq, %scan3A_128, %eq3A_136 : i32
        %add3A_138 = arith.addi %scan3A_133, %mul3A_6 : i32
        %sub3A_139 = arith.constant 1 : i32
        %sub3A_140 = arith.subi %scan3A_133, %sub3A_139 : i32
        %select_n3A_141 = arith.constant true
        %select_n3A_142 = arith.select %select_n3A_141, %sub3A_140, %scan3A_133 : i32
        %eq3A_143 = arith.constant -1 : i32
        %eq3A_144 = arith.cmpi eq, %select_n3A_142, %eq3A_143 : i32
        %select_n3A_145 = arith.constant 2 : i32
        %select_n3A_146 = arith.select %eq3A_144, %select_n3A_145, %select_n3A_142 : i32
        %add3A_147 = arith.addi %select_n3A_146, %mul3A_6 : i32
        %add3A_148 = arith.constant 1 : i32
        %add3A_149 = arith.addi %scan3A_133, %add3A_148 : i32
        %select_n3A_150 = arith.constant true
        %select_n3A_151 = arith.select %select_n3A_150, %add3A_149, %scan3A_133 : i32
        %eq3A_152 = arith.constant 3 : i32
        %eq3A_153 = arith.cmpi eq, %select_n3A_151, %eq3A_152 : i32
        %select_n3A_154 = arith.constant 0 : i32
        %select_n3A_155 = arith.select %eq3A_153, %select_n3A_154, %select_n3A_151 : i32
        %add3A_156 = arith.addi %select_n3A_155, %mul3A_6 : i32
        %add3A_157 = arith.constant 1 : i32
        %add3A_158 = arith.addi %select_n3A_155, %add3A_157 : i32
        %select_n3A_159 = arith.constant true
        %select_n3A_160 = arith.select %select_n3A_159, %add3A_158, %select_n3A_155 : i32
        %eq3A_161 = arith.constant 3 : i32
        %eq3A_162 = arith.cmpi eq, %select_n3A_160, %eq3A_161 : i32
        %select_n3A_163 = arith.constant 0 : i32
        %select_n3A_164 = arith.select %eq3A_162, %select_n3A_163, %select_n3A_160 : i32
        %add3A_165 = arith.addi %select_n3A_164, %mul3A_6 : i32
        %ne3A = arith.cmpi ne, %add3A_138, %add3A_156 : i32
        %or3A = arith.constant false
        %or3A_166 = arith.ori %or3A, %ne3A : i1
        %or3A_167 = arith.constant false
        %or3A_168 = arith.ori %or3A_166, %or3A_167 : i1
        %ge3A = arith.constant 2 : i32
        %ge3A_169 = arith.cmpi sge, %scan3A_128, %ge3A : i32
        %not3A = arith.constant true
        %not3A_170 = arith.xori %ge3A_169, %not3A : i1
        %and3A = arith.andi %or3A_168, %not3A_170 : i1
        %convert_element_type3A = arith.extui %and3A : i1 to i32
        %cond3A = arith.constant 0 : i32
        %cond3A_171 = arith.cmpi ne, %convert_element_type3A, %cond3A : i32
        scf.if %cond3A_171 {
          "tpu.trace_start"() <{level = 10 : i32, message = "ep_copy_in"}> : () -> ()
          %rem3A_282 = arith.constant 2 : i32
          %rem3A_283 = arith.remui %scan3A_129, %rem3A_282 : i32
          %mul3A_284 = arith.constant 128 : i32
          %mul3A_285 = arith.muli %mul3A_284, %add3A_156 : i32
          %dma_start3A_286 = arith.constant 0 : i32
          %dma_start3A_287 = arith.constant 0 : i32
          %dma_start3A_288 = tpu.memref_slice %run_scoped3A[%rem3A_283, %dma_start3A_286, %dma_start3A_287] : memref<2x128x128xf32, #tpu.memory_space<vmem>> -> memref<1x128x128xf32, #tpu.memory_space<vmem>>
          %dma_start3A_289 = tpu.memref_squeeze %dma_start3A_288 : memref<1x128x128xf32, #tpu.memory_space<vmem>> -> memref<128x128xf32, #tpu.memory_space<vmem>>
          %dma_start3A_290 = arith.constant 0 : i32
          %dma_start3A_291 = tpu.memref_slice %arg2[%mul3A_285, %dma_start3A_290] : memref<12288x128xf32, #tpu.memory_space<hbm>> -> memref<128x128xf32, #tpu.memory_space<hbm>>
          %dma_start3A_292 = tpu.memref_slice %run_scoped3A_7[%rem3A_283] : memref<2x!tpu.dma_semaphore, #tpu.memory_space<semaphore_mem>> -> memref<1x!tpu.dma_semaphore, #tpu.memory_space<semaphore_mem>>
          %dma_start3A_293 = tpu.memref_squeeze %dma_start3A_292 : memref<1x!tpu.dma_semaphore, #tpu.memory_space<semaphore_mem>> -> memref<!tpu.dma_semaphore, #tpu.memory_space<semaphore_mem>>
          %dma_start3A_294 = arith.constant 0 : i32
          %dma_start3A_295 = arith.constant 0 : i32
          %dma_start3A_296 = tpu.memref_slice %run_scoped3A[%rem3A_283, %dma_start3A_294, %dma_start3A_295] : memref<2x128x128xf32, #tpu.memory_space<vmem>> -> memref<1x128x128xf32, #tpu.memory_space<vmem>>
          %dma_start3A_297 = tpu.memref_squeeze %dma_start3A_296 : memref<1x128x128xf32, #tpu.memory_space<vmem>> -> memref<128x128xf32, #tpu.memory_space<vmem>>
          %dma_start3A_298 = arith.constant 0 : i32
          %dma_start3A_299 = tpu.memref_slice %arg2[%mul3A_285, %dma_start3A_298] : memref<12288x128xf32, #tpu.memory_space<hbm>> -> memref<128x128xf32, #tpu.memory_space<hbm>>
          tpu.enqueue_dma source(%dma_start3A_299 : memref<128x128xf32, #tpu.memory_space<hbm>>) target(%dma_start3A_297 : memref<128x128xf32, #tpu.memory_space<vmem>>) target_semaphore(%dma_start3A_293 : memref<!tpu.dma_semaphore, #tpu.memory_space<semaphore_mem>>)
          "tpu.trace_stop"() : () -> ()
        } else {
        }
        %and3A_172 = arith.constant true
        %and3A_173 = arith.andi %and3A, %and3A_172 : i1
        %add3A_174 = arith.constant 1 : i32
        %add3A_175 = arith.addi %scan3A_129, %add3A_174 : i32
        %select_n3A_176 = arith.select %and3A_173, %add3A_175, %scan3A_129 : i32
        %ne3A_177 = arith.cmpi ne, %add3A_138, %add3A_156 : i32
        %or3A_178 = arith.constant false
        %or3A_179 = arith.ori %or3A_178, %ne3A_177 : i1
        %ge3A_180 = arith.constant 2 : i32
        %ge3A_181 = arith.cmpi sge, %scan3A_128, %ge3A_180 : i32
        %not3A_182 = arith.constant true
        %not3A_183 = arith.xori %ge3A_181, %not3A_182 : i1
        %and3A_184 = arith.andi %or3A_179, %not3A_183 : i1
        %convert_element_type3A_185 = arith.extui %and3A_184 : i1 to i32
        %cond3A_186 = arith.constant 0 : i32
        %cond3A_187 = arith.cmpi ne, %convert_element_type3A_185, %cond3A_186 : i32
        scf.if %cond3A_187 {
          "tpu.trace_start"() <{level = 10 : i32, message = "ep_copy_in"}> : () -> ()
          %rem3A_282 = arith.constant 2 : i32
          %rem3A_283 = arith.remui %scan3A_131, %rem3A_282 : i32
          %mul3A_284 = arith.constant 128 : i32
          %mul3A_285 = arith.muli %mul3A_284, %add3A_156 : i32
          %dma_start3A_286 = arith.constant 0 : i32
          %dma_start3A_287 = arith.constant 0 : i32
          %dma_start3A_288 = tpu.memref_slice %run_scoped3A_8[%rem3A_283, %dma_start3A_286, %dma_start3A_287] : memref<2x1x128xi32, #tpu.memory_space<vmem>> -> memref<1x1x128xi32, #tpu.memory_space<vmem>>
          %dma_start3A_289 = tpu.memref_squeeze %dma_start3A_288 : memref<1x1x128xi32, #tpu.memory_space<vmem>> -> memref<1x128xi32, #tpu.memory_space<vmem>>
          %dma_start3A_290 = arith.constant 0 : i32
          %dma_start3A_291 = tpu.memref_slice %arg3[%dma_start3A_290, %mul3A_285] : memref<1x12288xi32, #tpu.memory_space<hbm>> -> memref<1x128xi32, #tpu.memory_space<hbm>>
          %dma_start3A_292 = tpu.memref_slice %run_scoped3A_9[%rem3A_283] : memref<2x!tpu.dma_semaphore, #tpu.memory_space<semaphore_mem>> -> memref<1x!tpu.dma_semaphore, #tpu.memory_space<semaphore_mem>>
          %dma_start3A_293 = tpu.memref_squeeze %dma_start3A_292 : memref<1x!tpu.dma_semaphore, #tpu.memory_space<semaphore_mem>> -> memref<!tpu.dma_semaphore, #tpu.memory_space<semaphore_mem>>
          %dma_start3A_294 = arith.constant 0 : i32
          %dma_start3A_295 = arith.constant 0 : i32
          %dma_start3A_296 = tpu.memref_slice %run_scoped3A_8[%rem3A_283, %dma_start3A_294, %dma_start3A_295] : memref<2x1x128xi32, #tpu.memory_space<vmem>> -> memref<1x1x128xi32, #tpu.memory_space<vmem>>
          %dma_start3A_297 = tpu.memref_squeeze %dma_start3A_296 : memref<1x1x128xi32, #tpu.memory_space<vmem>> -> memref<1x128xi32, #tpu.memory_space<vmem>>
          %dma_start3A_298 = arith.constant 0 : i32
          %dma_start3A_299 = tpu.memref_slice %arg3[%dma_start3A_298, %mul3A_285] : memref<1x12288xi32, #tpu.memory_space<hbm>> -> memref<1x128xi32, #tpu.memory_space<hbm>>
          tpu.enqueue_dma source(%dma_start3A_299 : memref<1x128xi32, #tpu.memory_space<hbm>>) target(%dma_start3A_297 : memref<1x128xi32, #tpu.memory_space<vmem>>) target_semaphore(%dma_start3A_293 : memref<!tpu.dma_semaphore, #tpu.memory_space<semaphore_mem>>)
          "tpu.trace_stop"() : () -> ()
        } else {
        }
        %and3A_188 = arith.constant true
        %and3A_189 = arith.andi %and3A_184, %and3A_188 : i1
        %add3A_190 = arith.constant 1 : i32
        %add3A_191 = arith.addi %scan3A_131, %add3A_190 : i32
        %select_n3A_192 = arith.select %and3A_189, %add3A_191, %scan3A_131 : i32
        %ne3A_193 = arith.cmpi ne, %add3A_138, %add3A_147 : i32
        %or3A_194 = arith.constant false
        %or3A_195 = arith.ori %or3A_194, %ne3A_193 : i1
        %or3A_196 = arith.constant false
        %or3A_197 = arith.ori %or3A_195, %or3A_196 : i1
        %or3A_198 = arith.ori %or3A_197, %eq3A_135 : i1
        %convert_element_type3A_199 = arith.extui %or3A_198 : i1 to i32
        %cond3A_200 = arith.constant 0 : i32
        %cond3A_201 = arith.cmpi ne, %convert_element_type3A_199, %cond3A_200 : i32
        scf.if %cond3A_201 {
          "tpu.trace_start"() <{level = 10 : i32, message = "ep_wait_in"}> : () -> ()
          %mul3A_282 = arith.constant 128 : i32
          %mul3A_283 = arith.muli %mul3A_282, %add3A_138 : i32
          %rem3A_284 = arith.constant 2 : i32
          %rem3A_285 = arith.remui %scan3A_130, %rem3A_284 : i32
          %dma_wait3A = arith.constant 0 : i32
          %dma_wait3A_286 = arith.constant 0 : i32
          %dma_wait3A_287 = tpu.memref_slice %run_scoped3A[%rem3A_285, %dma_wait3A, %dma_wait3A_286] : memref<2x128x128xf32, #tpu.memory_space<vmem>> -> memref<1x128x128xf32, #tpu.memory_space<vmem>>
          %dma_wait3A_288 = tpu.memref_squeeze %dma_wait3A_287 : memref<1x128x128xf32, #tpu.memory_space<vmem>> -> memref<128x128xf32, #tpu.memory_space<vmem>>
          %dma_wait3A_289 = arith.constant 0 : i32
          %dma_wait3A_290 = tpu.memref_slice %arg2[%mul3A_283, %dma_wait3A_289] : memref<12288x128xf32, #tpu.memory_space<hbm>> -> memref<128x128xf32, #tpu.memory_space<hbm>>
          %dma_wait3A_291 = tpu.memref_slice %run_scoped3A_7[%rem3A_285] : memref<2x!tpu.dma_semaphore, #tpu.memory_space<semaphore_mem>> -> memref<1x!tpu.dma_semaphore, #tpu.memory_space<semaphore_mem>>
          %dma_wait3A_292 = tpu.memref_squeeze %dma_wait3A_291 : memref<1x!tpu.dma_semaphore, #tpu.memory_space<semaphore_mem>> -> memref<!tpu.dma_semaphore, #tpu.memory_space<semaphore_mem>>
          %dma_wait3A_293 = arith.constant 0 : i32
          %dma_wait3A_294 = arith.constant 0 : i32
          %dma_wait3A_295 = tpu.memref_slice %run_scoped3A[%rem3A_285, %dma_wait3A_293, %dma_wait3A_294] : memref<2x128x128xf32, #tpu.memory_space<vmem>> -> memref<1x128x128xf32, #tpu.memory_space<vmem>>
          %dma_wait3A_296 = tpu.memref_squeeze %dma_wait3A_295 : memref<1x128x128xf32, #tpu.memory_space<vmem>> -> memref<128x128xf32, #tpu.memory_space<vmem>>
          %dma_wait3A_297 = arith.constant 0 : i32
          %dma_wait3A_298 = tpu.memref_slice %arg2[%mul3A_283, %dma_wait3A_297] : memref<12288x128xf32, #tpu.memory_space<hbm>> -> memref<128x128xf32, #tpu.memory_space<hbm>>
          tpu.wait_dma2 semaphore(%dma_wait3A_292 : memref<!tpu.dma_semaphore, #tpu.memory_space<semaphore_mem>>) src(%dma_wait3A_298 : memref<128x128xf32, #tpu.memory_space<hbm>>) dst(%dma_wait3A_296 : memref<128x128xf32, #tpu.memory_space<vmem>>)
          "tpu.trace_stop"() : () -> ()
        } else {
        }
        %ne3A_202 = arith.cmpi ne, %add3A_138, %add3A_147 : i32
        %or3A_203 = arith.constant false
        %or3A_204 = arith.ori %or3A_203, %ne3A_202 : i1
        %or3A_205 = arith.ori %or3A_204, %eq3A_135 : i1
        %convert_element_type3A_206 = arith.extui %or3A_205 : i1 to i32
        %cond3A_207 = arith.constant 0 : i32
        %cond3A_208 = arith.cmpi ne, %convert_element_type3A_206, %cond3A_207 : i32
        scf.if %cond3A_208 {
          "tpu.trace_start"() <{level = 10 : i32, message = "ep_wait_in"}> : () -> ()
          %mul3A_282 = arith.constant 128 : i32
          %mul3A_283 = arith.muli %mul3A_282, %add3A_138 : i32
          %rem3A_284 = arith.constant 2 : i32
          %rem3A_285 = arith.remui %scan3A_132, %rem3A_284 : i32
          %dma_wait3A = arith.constant 0 : i32
          %dma_wait3A_286 = arith.constant 0 : i32
          %dma_wait3A_287 = tpu.memref_slice %run_scoped3A_8[%rem3A_285, %dma_wait3A, %dma_wait3A_286] : memref<2x1x128xi32, #tpu.memory_space<vmem>> -> memref<1x1x128xi32, #tpu.memory_space<vmem>>
          %dma_wait3A_288 = tpu.memref_squeeze %dma_wait3A_287 : memref<1x1x128xi32, #tpu.memory_space<vmem>> -> memref<1x128xi32, #tpu.memory_space<vmem>>
          %dma_wait3A_289 = arith.constant 0 : i32
          %dma_wait3A_290 = tpu.memref_slice %arg3[%dma_wait3A_289, %mul3A_283] : memref<1x12288xi32, #tpu.memory_space<hbm>> -> memref<1x128xi32, #tpu.memory_space<hbm>>
          %dma_wait3A_291 = tpu.memref_slice %run_scoped3A_9[%rem3A_285] : memref<2x!tpu.dma_semaphore, #tpu.memory_space<semaphore_mem>> -> memref<1x!tpu.dma_semaphore, #tpu.memory_space<semaphore_mem>>
          %dma_wait3A_292 = tpu.memref_squeeze %dma_wait3A_291 : memref<1x!tpu.dma_semaphore, #tpu.memory_space<semaphore_mem>> -> memref<!tpu.dma_semaphore, #tpu.memory_space<semaphore_mem>>
          %dma_wait3A_293 = arith.constant 0 : i32
          %dma_wait3A_294 = arith.constant 0 : i32
          %dma_wait3A_295 = tpu.memref_slice %run_scoped3A_8[%rem3A_285, %dma_wait3A_293, %dma_wait3A_294] : memref<2x1x128xi32, #tpu.memory_space<vmem>> -> memref<1x1x128xi32, #tpu.memory_space<vmem>>
          %dma_wait3A_296 = tpu.memref_squeeze %dma_wait3A_295 : memref<1x1x128xi32, #tpu.memory_space<vmem>> -> memref<1x128xi32, #tpu.memory_space<vmem>>
          %dma_wait3A_297 = arith.constant 0 : i32
          %dma_wait3A_298 = tpu.memref_slice %arg3[%dma_wait3A_297, %mul3A_283] : memref<1x12288xi32, #tpu.memory_space<hbm>> -> memref<1x128xi32, #tpu.memory_space<hbm>>
          tpu.wait_dma2 semaphore(%dma_wait3A_292 : memref<!tpu.dma_semaphore, #tpu.memory_space<semaphore_mem>>) src(%dma_wait3A_298 : memref<1x128xi32, #tpu.memory_space<hbm>>) dst(%dma_wait3A_296 : memref<1x128xi32, #tpu.memory_space<vmem>>)
          "tpu.trace_stop"() : () -> ()
        } else {
        }
        %rem3A_209 = arith.constant 2 : i32
        %rem3A_210 = arith.remui %scan3A_130, %rem3A_209 : i32
        %rem3A_211 = arith.constant 2 : i32
        %rem3A_212 = arith.remui %scan3A_132, %rem3A_211 : i32
        %run_scoped3A_213 = arith.constant 0 : i32
        "tpu.trace_start"() <{level = 10 : i32, message = "ep_run_kernel"}> : () -> ()
        "tpu.region"() ({
          %run_scoped3A_282 = tpu.sem_alloc : memref<!tpu.dma_semaphore, #tpu.memory_space<semaphore_mem>>
          %dma_start3A_283 = arith.constant 0 : i32
          %dma_start3A_284 = arith.constant 0 : i32
          %dma_start3A_285 = tpu.memref_slice %run_scoped3A[%rem3A_210, %dma_start3A_283, %dma_start3A_284] : memref<2x128x128xf32, #tpu.memory_space<vmem>> -> memref<1x128x128xf32, #tpu.memory_space<vmem>>
          %dma_start3A_286 = tpu.memref_squeeze %dma_start3A_285 : memref<1x128x128xf32, #tpu.memory_space<vmem>> -> memref<128x128xf32, #tpu.memory_space<vmem>>
          %dma_start3A_287 = arith.constant 0 : i32
          %dma_start3A_288 = arith.constant 0 : i32
          %dma_start3A_289 = tpu.memref_slice %run_scoped3A_8[%rem3A_212, %dma_start3A_287, %dma_start3A_288] : memref<2x1x128xi32, #tpu.memory_space<vmem>> -> memref<1x1x128xi32, #tpu.memory_space<vmem>>
          %dma_start3A_290 = tpu.memref_squeeze %dma_start3A_289 : memref<1x1x128xi32, #tpu.memory_space<vmem>> -> memref<1x128xi32, #tpu.memory_space<vmem>>
          %dma_start3A_291 = arith.constant 0 : i32
          %dma_start3A_292 = tpu.memref_slice %dma_start3A_290[%run_scoped3A_213, %dma_start3A_291] : memref<1x128xi32, #tpu.memory_space<vmem>> -> memref<1x128xi32, #tpu.memory_space<vmem>>
          %dma_start3A_293 = tpu.memref_squeeze %dma_start3A_292 : memref<1x128xi32, #tpu.memory_space<vmem>> -> memref<128xi32, #tpu.memory_space<vmem>>
          %dma_start3A_294 = arith.constant 0 : i32
          %dma_start3A_295 = arith.constant 0 : i32
          %dma_start3A_296 = tpu.memref_slice %arg4[%dma_start3A_294, %dma_start3A_295] : memref<24960x128xf32, #tpu.memory_space<hbm>> -> memref<24960x128xf32, #tpu.memory_space<hbm>>
          tpu.enqueue_indirect_dma source(%dma_start3A_286 : memref<128x128xf32, #tpu.memory_space<vmem>>) target(%dma_start3A_296 : memref<24960x128xf32, #tpu.memory_space<hbm>>) offsets(%dma_start3A_293 : memref<128xi32, #tpu.memory_space<vmem>>) semaphore(%run_scoped3A_282 : memref<!tpu.dma_semaphore, #tpu.memory_space<semaphore_mem>>)
          %dma_wait3A = arith.constant 0 : i32
          %dma_wait3A_297 = arith.constant 0 : i32
          %dma_wait3A_298 = tpu.memref_slice %run_scoped3A[%rem3A_210, %dma_wait3A, %dma_wait3A_297] : memref<2x128x128xf32, #tpu.memory_space<vmem>> -> memref<1x128x128xf32, #tpu.memory_space<vmem>>
          %dma_wait3A_299 = tpu.memref_squeeze %dma_wait3A_298 : memref<1x128x128xf32, #tpu.memory_space<vmem>> -> memref<128x128xf32, #tpu.memory_space<vmem>>
          %dma_wait3A_300 = arith.constant 0 : i32
          %dma_wait3A_301 = arith.constant 0 : i32
          %dma_wait3A_302 = tpu.memref_slice %run_scoped3A_8[%rem3A_212, %dma_wait3A_300, %dma_wait3A_301] : memref<2x1x128xi32, #tpu.memory_space<vmem>> -> memref<1x1x128xi32, #tpu.memory_space<vmem>>
          %dma_wait3A_303 = tpu.memref_squeeze %dma_wait3A_302 : memref<1x1x128xi32, #tpu.memory_space<vmem>> -> memref<1x128xi32, #tpu.memory_space<vmem>>
          %dma_wait3A_304 = arith.constant 0 : i32
          %dma_wait3A_305 = tpu.memref_slice %dma_wait3A_303[%run_scoped3A_213, %dma_wait3A_304] : memref<1x128xi32, #tpu.memory_space<vmem>> -> memref<1x128xi32, #tpu.memory_space<vmem>>
          %dma_wait3A_306 = tpu.memref_squeeze %dma_wait3A_305 : memref<1x128xi32, #tpu.memory_space<vmem>> -> memref<128xi32, #tpu.memory_space<vmem>>
          %dma_wait3A_307 = arith.constant 0 : i32
          %dma_wait3A_308 = arith.constant 0 : i32
          %dma_wait3A_309 = tpu.memref_slice %arg4[%dma_wait3A_307, %dma_wait3A_308] : memref<24960x128xf32, #tpu.memory_space<hbm>> -> memref<24960x128xf32, #tpu.memory_space<hbm>>
          tpu.wait_indirect_dma semaphore(%run_scoped3A_282 : memref<!tpu.dma_semaphore, #tpu.memory_space<semaphore_mem>>) src(%dma_wait3A_299 : memref<128x128xf32, #tpu.memory_space<vmem>>) dst(%dma_wait3A_309 : memref<24960x128xf32, #tpu.memory_space<hbm>>)
          tpu.yield
        }) : () -> ()
        "tpu.trace_stop"() : () -> ()
        %ne3A_214 = arith.cmpi ne, %add3A_138, %add3A_156 : i32
        %or3A_215 = arith.constant false
        %or3A_216 = arith.ori %or3A_215, %ne3A_214 : i1
        %or3A_217 = arith.constant false
        %or3A_218 = arith.ori %or3A_216, %or3A_217 : i1
        %or3A_219 = arith.ori %or3A_218, %eq3A_137 : i1
        %convert_element_type3A_220 = arith.extui %or3A_219 : i1 to i32
        %cond3A_221 = arith.constant 0 : i32
        %cond3A_222 = arith.cmpi ne, %convert_element_type3A_220, %cond3A_221 : i32
        scf.if %cond3A_222 {
        } else {
        }
        %and3A_223 = arith.constant false
        %and3A_224 = arith.andi %or3A_219, %and3A_223 : i1
        %ne3A_225 = arith.cmpi ne, %add3A_138, %add3A_156 : i32
        %or3A_226 = arith.constant false
        %or3A_227 = arith.ori %or3A_226, %ne3A_225 : i1
        %or3A_228 = arith.ori %or3A_227, %eq3A_137 : i1
        %convert_element_type3A_229 = arith.extui %or3A_228 : i1 to i32
        %cond3A_230 = arith.constant 0 : i32
        %cond3A_231 = arith.cmpi ne, %convert_element_type3A_229, %cond3A_230 : i32
        scf.if %cond3A_231 {
        } else {
        }
        %and3A_232 = arith.constant false
        %and3A_233 = arith.andi %or3A_228, %and3A_232 : i1
        %ne3A_234 = arith.cmpi ne, %add3A_138, %add3A_147 : i32
        %or3A_235 = arith.constant false
        %or3A_236 = arith.ori %or3A_235, %ne3A_234 : i1
        %or3A_237 = arith.constant false
        %or3A_238 = arith.ori %or3A_236, %or3A_237 : i1
        %not3A_239 = arith.constant true
        %not3A_240 = arith.xori %eq3A_135, %not3A_239 : i1
        %and3A_241 = arith.andi %or3A_238, %not3A_240 : i1
        %convert_element_type3A_242 = arith.extui %and3A_241 : i1 to i32
        %cond3A_243 = arith.constant 0 : i32
        %cond3A_244 = arith.cmpi ne, %convert_element_type3A_242, %cond3A_243 : i32
        scf.if %cond3A_244 {
        } else {
        }
        %and3A_245 = arith.constant false
        %and3A_246 = arith.andi %and3A_241, %and3A_245 : i1
        %ne3A_247 = arith.cmpi ne, %add3A_138, %add3A_147 : i32
        %or3A_248 = arith.constant false
        %or3A_249 = arith.ori %or3A_248, %ne3A_247 : i1
        %not3A_250 = arith.constant true
        %not3A_251 = arith.xori %eq3A_135, %not3A_250 : i1
        %and3A_252 = arith.andi %or3A_249, %not3A_251 : i1
        %convert_element_type3A_253 = arith.extui %and3A_252 : i1 to i32
        %cond3A_254 = arith.constant 0 : i32
        %cond3A_255 = arith.cmpi ne, %convert_element_type3A_253, %cond3A_254 : i32
        scf.if %cond3A_255 {
        } else {
        }
        %and3A_256 = arith.constant false
        %and3A_257 = arith.andi %and3A_252, %and3A_256 : i1
        %ne3A_258 = arith.cmpi ne, %add3A_138, %add3A_156 : i32
        %or3A_259 = arith.constant false
        %or3A_260 = arith.ori %or3A_259, %ne3A_258 : i1
        %or3A_261 = arith.constant false
        %or3A_262 = arith.ori %or3A_260, %or3A_261 : i1
        %or3A_263 = arith.ori %or3A_262, %eq3A_137 : i1
        %add3A_264 = arith.constant 1 : i32
        %add3A_265 = arith.addi %scan3A_130, %add3A_264 : i32
        %select_n3A_266 = arith.select %or3A_263, %add3A_265, %scan3A_130 : i32
        %ne3A_267 = arith.cmpi ne, %add3A_138, %add3A_156 : i32
        %or3A_268 = arith.constant false
        %or3A_269 = arith.ori %or3A_268, %ne3A_267 : i1
        %or3A_270 = arith.ori %or3A_269, %eq3A_137 : i1
        %add3A_271 = arith.constant 1 : i32
        %add3A_272 = arith.addi %scan3A_132, %add3A_271 : i32
        %select_n3A_273 = arith.select %or3A_270, %add3A_272, %scan3A_132 : i32
        %add3A_274 = arith.constant 1 : i32
        %add3A_275 = arith.addi %scan3A_133, %add3A_274 : i32
        %select_n3A_276 = arith.constant true
        %select_n3A_277 = arith.select %select_n3A_276, %add3A_275, %scan3A_133 : i32
        %eq3A_278 = arith.constant 3 : i32
        %eq3A_279 = arith.cmpi eq, %select_n3A_277, %eq3A_278 : i32
        %select_n3A_280 = arith.constant 0 : i32
        %select_n3A_281 = arith.select %eq3A_279, %select_n3A_280, %select_n3A_277 : i32
        scf.yield %select_n3A_176, %select_n3A_266, %select_n3A_192, %select_n3A_273, %select_n3A_281 : i32, i32, i32, i32, i32
      }
      %scan3A_92 = arith.constant 3 : i32
      %sub3A = arith.constant 1 : i32
      %sub3A_93 = arith.subi %scan3A_91#4, %sub3A : i32
      %select_n3A_94 = arith.constant true
      %select_n3A_95 = arith.select %select_n3A_94, %sub3A_93, %scan3A_91#4 : i32
      %eq3A_96 = arith.constant -1 : i32
      %eq3A_97 = arith.cmpi eq, %select_n3A_95, %eq3A_96 : i32
      %select_n3A_98 = arith.constant 2 : i32
      %select_n3A_99 = arith.select %eq3A_97, %select_n3A_98, %select_n3A_95 : i32
      %add3A_100 = arith.addi %select_n3A_99, %mul3A_6 : i32
      %sub3A_101 = arith.constant 1 : i32
      %sub3A_102 = arith.subi %select_n3A_99, %sub3A_101 : i32
      %select_n3A_103 = arith.constant true
      %select_n3A_104 = arith.select %select_n3A_103, %sub3A_102, %select_n3A_99 : i32
      %eq3A_105 = arith.constant -1 : i32
      %eq3A_106 = arith.cmpi eq, %select_n3A_104, %eq3A_105 : i32
      %select_n3A_107 = arith.constant 2 : i32
      %select_n3A_108 = arith.select %eq3A_106, %select_n3A_107, %select_n3A_104 : i32
      %add3A_109 = arith.addi %select_n3A_108, %mul3A_6 : i32
      %add3A_110 = arith.constant 1 : i32
      %add3A_111 = arith.addi %select_n3A_99, %add3A_110 : i32
      %select_n3A_112 = arith.constant true
      %select_n3A_113 = arith.select %select_n3A_112, %add3A_111, %select_n3A_99 : i32
      %eq3A_114 = arith.constant 3 : i32
      %eq3A_115 = arith.cmpi eq, %select_n3A_113, %eq3A_114 : i32
      %select_n3A_116 = arith.constant 0 : i32
      %select_n3A_117 = arith.select %eq3A_115, %select_n3A_116, %select_n3A_113 : i32
      %add3A_118 = arith.addi %select_n3A_117, %mul3A_6 : i32
      %add3A_119 = arith.constant 1 : i32
      %add3A_120 = arith.addi %select_n3A_117, %add3A_119 : i32
      %select_n3A_121 = arith.constant true
      %select_n3A_122 = arith.select %select_n3A_121, %add3A_120, %select_n3A_117 : i32
      %eq3A_123 = arith.constant 3 : i32
      %eq3A_124 = arith.cmpi eq, %select_n3A_122, %eq3A_123 : i32
      %select_n3A_125 = arith.constant 0 : i32
      %select_n3A_126 = arith.select %eq3A_124, %select_n3A_125, %select_n3A_122 : i32
      %add3A_127 = arith.addi %select_n3A_126, %mul3A_6 : i32
      tpu.yield
    }) : () -> ()
    return
  }
}

module attributes {stable_mosaic.version = 14 : i64} {
  func.func @_attn_kernel(%arg0: i32, %arg1: i32, %arg2: memref<2048x128xf32, #tpu.memory_space<vmem>>, %arg3: memref<2048x128xf32, #tpu.memory_space<vmem>>, %arg4: memref<2048x128xf32, #tpu.memory_space<vmem>>, %arg5: memref<2048x128xf32, #tpu.memory_space<vmem>>) attributes {dimension_semantics = [#tpu.dimension_semantics<parallel>, #tpu.dimension_semantics<parallel>], iteration_bounds = array<i64: 6, 1>, scalar_prefetch = 0 : i64, scratch_operands = 0 : i64, tpu.core_type = #tpu.core_type<tc>, window_params = [{transform_indices = @transform_0, window_bounds = array<i64: 2048, 128>}, {transform_indices = @transform_1, window_bounds = array<i64: 2048, 128>}, {transform_indices = @transform_2, window_bounds = array<i64: 2048, 128>}, {transform_indices = @transform_3, window_bounds = array<i64: 2048, 128>}]} {
    %get3A = arith.constant 0 : index
    %get3A_0 = arith.constant 0 : index
    %get3A_1 = vector.load %arg2[%get3A, %get3A_0] : memref<2048x128xf32, #tpu.memory_space<vmem>>, vector<2048x64xf32>
    %mul3A = arith.constant 1.250000e-01 : f32
    %mul3A_2 = vector.broadcast %mul3A : f32 to vector<2048x64xf32>
    %mul3A_3 = arith.mulf %get3A_1, %mul3A_2 : vector<2048x64xf32>
    %get3A_4 = arith.constant 0 : index
    %get3A_5 = arith.constant 0 : index
    %get3A_6 = vector.load %arg3[%get3A_4, %get3A_5] : memref<2048x128xf32, #tpu.memory_space<vmem>>, vector<2048x64xf32>
    %convert_element_type3A = arith.truncf %mul3A_3 : vector<2048x64xf32> to vector<2048x64xbf16>
    %convert_element_type3A_7 = arith.extf %convert_element_type3A : vector<2048x64xbf16> to vector<2048x64xf32>
    %sub3A = arith.subf %mul3A_3, %convert_element_type3A_7 : vector<2048x64xf32>
    %convert_element_type3A_8 = arith.truncf %sub3A : vector<2048x64xf32> to vector<2048x64xbf16>
    %convert_element_type3A_9 = arith.truncf %get3A_6 : vector<2048x64xf32> to vector<2048x64xbf16>
    %convert_element_type3A_10 = arith.extf %convert_element_type3A_9 : vector<2048x64xbf16> to vector<2048x64xf32>
    %sub3A_11 = arith.subf %get3A_6, %convert_element_type3A_10 : vector<2048x64xf32>
    %convert_element_type3A_12 = arith.truncf %sub3A_11 : vector<2048x64xf32> to vector<2048x64xbf16>
    %concatenate3A = tpu.concatenate %convert_element_type3A, %convert_element_type3A_8, %convert_element_type3A in 1 : vector<2048x64xbf16>, vector<2048x64xbf16>, vector<2048x64xbf16> -> vector<2048x192xbf16>
    %concatenate3A_13 = tpu.concatenate %convert_element_type3A_9, %convert_element_type3A_9, %convert_element_type3A_12 in 1 : vector<2048x64xbf16>, vector<2048x64xbf16>, vector<2048x64xbf16> -> vector<2048x192xbf16>
    %dot_general3A = arith.constant dense<0.000000e+00> : vector<2048x2048xf32>
    %dot_general3A_14 = tpu.matmul %concatenate3A, %concatenate3A_13, %dot_general3A {dimension_numbers = #tpu.dot_dimension_numbers<[1], [1], [0], [0], [0, 0, 1, 0], [], []>, transpose_lhs_hint = false} : vector<2048x192xbf16>, vector<2048x192xbf16>, vector<2048x2048xf32> -> vector<2048x2048xf32>
    %exp3A = math.exp %dot_general3A_14 : vector<2048x2048xf32>
    %reduce_sum3A = arith.constant dense<0.000000e+00> : vector<2048xf32>
    %reduce_sum3A_15 = vector.multi_reduction <add>, %exp3A, %reduce_sum3A [1] : vector<2048x2048xf32> to vector<2048xf32>
    %broadcast_in_dim3A = vector.shape_cast %reduce_sum3A_15 : vector<2048xf32> to vector<2048x1xf32>
    %convert_element_type3A_16 = arith.truncf %exp3A : vector<2048x2048xf32> to vector<2048x2048xbf16>
    %convert_element_type3A_17 = arith.extf %convert_element_type3A_16 : vector<2048x2048xbf16> to vector<2048x2048xf32>
    %sub3A_18 = arith.subf %exp3A, %convert_element_type3A_17 : vector<2048x2048xf32>
    %convert_element_type3A_19 = arith.truncf %sub3A_18 : vector<2048x2048xf32> to vector<2048x2048xbf16>
    %get3A_20 = arith.constant 0 : index
    %get3A_21 = arith.constant 0 : index
    %get3A_22 = vector.load %arg4[%get3A_20, %get3A_21] : memref<2048x128xf32, #tpu.memory_space<vmem>>, vector<2048x64xf32>
    %convert_element_type3A_23 = arith.truncf %get3A_22 : vector<2048x64xf32> to vector<2048x64xbf16>
    %convert_element_type3A_24 = arith.extf %convert_element_type3A_23 : vector<2048x64xbf16> to vector<2048x64xf32>
    %sub3A_25 = arith.subf %get3A_22, %convert_element_type3A_24 : vector<2048x64xf32>
    %convert_element_type3A_26 = arith.truncf %sub3A_25 : vector<2048x64xf32> to vector<2048x64xbf16>
    %concatenate3A_27 = tpu.concatenate %convert_element_type3A_23, %convert_element_type3A_26 in 1 : vector<2048x64xbf16>, vector<2048x64xbf16> -> vector<2048x128xbf16>
    %dot_general3A_28 = arith.constant dense<0.000000e+00> : vector<2048x128xf32>
    %dot_general3A_29 = tpu.matmul %convert_element_type3A_16, %concatenate3A_27, %dot_general3A_28 {dimension_numbers = #tpu.dot_dimension_numbers<[1], [0], [0], [1], [0, 0, 1, 1], [], []>, transpose_lhs_hint = false} : vector<2048x2048xbf16>, vector<2048x128xbf16>, vector<2048x128xf32> -> vector<2048x128xf32>
    %slice3A = vector.extract_strided_slice %dot_general3A_29 {offsets = [0, 0], sizes = [2048, 64], strides = [1, 1]} : vector<2048x128xf32> to vector<2048x64xf32>
    %slice3A_30 = vector.extract_strided_slice %dot_general3A_29 {offsets = [0, 64], sizes = [2048, 64], strides = [1, 1]} : vector<2048x128xf32> to vector<2048x64xf32>
    %add3A = arith.addf %slice3A, %slice3A_30 : vector<2048x64xf32>
    %dot_general3A_31 = arith.constant dense<0.000000e+00> : vector<2048x64xf32>
    %dot_general3A_32 = tpu.matmul %convert_element_type3A_19, %convert_element_type3A_23, %dot_general3A_31 {dimension_numbers = #tpu.dot_dimension_numbers<[1], [0], [0], [1], [0, 0, 1, 1], [], []>, transpose_lhs_hint = false} : vector<2048x2048xbf16>, vector<2048x64xbf16>, vector<2048x64xf32> -> vector<2048x64xf32>
    %add3A_33 = arith.addf %add3A, %dot_general3A_32 : vector<2048x64xf32>
    %div3A = vector.broadcast %broadcast_in_dim3A : vector<2048x1xf32> to vector<2048x64xf32>
    %div3A_34 = arith.divf %add3A_33, %div3A : vector<2048x64xf32>
    %swap3A = arith.constant 0 : index
    %swap3A_35 = arith.constant 0 : index
    %swap3A_36 = vector.load %arg5[%swap3A, %swap3A_35] : memref<2048x128xf32, #tpu.memory_space<vmem>>, vector<2048x64xf32>
    tpu.vector_store %arg5[%swap3A, %swap3A_35], %div3A_34 {strides = array<i32>} : memref<2048x128xf32, #tpu.memory_space<vmem>>, vector<2048x64xf32>,
    %get3A_37 = arith.constant 0 : index
    %get3A_38 = arith.constant 64 : index
    %get3A_39 = vector.load %arg2[%get3A_37, %get3A_38] : memref<2048x128xf32, #tpu.memory_space<vmem>>, vector<2048x64xf32>
    %mul3A_40 = arith.constant 1.250000e-01 : f32
    %mul3A_41 = vector.broadcast %mul3A_40 : f32 to vector<2048x64xf32>
    %mul3A_42 = arith.mulf %get3A_39, %mul3A_41 : vector<2048x64xf32>
    %get3A_43 = arith.constant 0 : index
    %get3A_44 = arith.constant 64 : index
    %get3A_45 = vector.load %arg3[%get3A_43, %get3A_44] : memref<2048x128xf32, #tpu.memory_space<vmem>>, vector<2048x64xf32>
    %convert_element_type3A_46 = arith.truncf %mul3A_42 : vector<2048x64xf32> to vector<2048x64xbf16>
    %convert_element_type3A_47 = arith.extf %convert_element_type3A_46 : vector<2048x64xbf16> to vector<2048x64xf32>
    %sub3A_48 = arith.subf %mul3A_42, %convert_element_type3A_47 : vector<2048x64xf32>
    %convert_element_type3A_49 = arith.truncf %sub3A_48 : vector<2048x64xf32> to vector<2048x64xbf16>
    %convert_element_type3A_50 = arith.truncf %get3A_45 : vector<2048x64xf32> to vector<2048x64xbf16>
    %convert_element_type3A_51 = arith.extf %convert_element_type3A_50 : vector<2048x64xbf16> to vector<2048x64xf32>
    %sub3A_52 = arith.subf %get3A_45, %convert_element_type3A_51 : vector<2048x64xf32>
    %convert_element_type3A_53 = arith.truncf %sub3A_52 : vector<2048x64xf32> to vector<2048x64xbf16>
    %concatenate3A_54 = tpu.concatenate %convert_element_type3A_46, %convert_element_type3A_49, %convert_element_type3A_46 in 1 : vector<2048x64xbf16>, vector<2048x64xbf16>, vector<2048x64xbf16> -> vector<2048x192xbf16>
    %concatenate3A_55 = tpu.concatenate %convert_element_type3A_50, %convert_element_type3A_50, %convert_element_type3A_53 in 1 : vector<2048x64xbf16>, vector<2048x64xbf16>, vector<2048x64xbf16> -> vector<2048x192xbf16>
    %dot_general3A_56 = arith.constant dense<0.000000e+00> : vector<2048x2048xf32>
    %dot_general3A_57 = tpu.matmul %concatenate3A_54, %concatenate3A_55, %dot_general3A_56 {dimension_numbers = #tpu.dot_dimension_numbers<[1], [1], [0], [0], [0, 0, 1, 0], [], []>, transpose_lhs_hint = false} : vector<2048x192xbf16>, vector<2048x192xbf16>, vector<2048x2048xf32> -> vector<2048x2048xf32>
    %exp3A_58 = math.exp %dot_general3A_57 : vector<2048x2048xf32>
    %reduce_sum3A_59 = arith.constant dense<0.000000e+00> : vector<2048xf32>
    %reduce_sum3A_60 = vector.multi_reduction <add>, %exp3A_58, %reduce_sum3A_59 [1] : vector<2048x2048xf32> to vector<2048xf32>
    %broadcast_in_dim3A_61 = vector.shape_cast %reduce_sum3A_60 : vector<2048xf32> to vector<2048x1xf32>
    %convert_element_type3A_62 = arith.truncf %exp3A_58 : vector<2048x2048xf32> to vector<2048x2048xbf16>
    %convert_element_type3A_63 = arith.extf %convert_element_type3A_62 : vector<2048x2048xbf16> to vector<2048x2048xf32>
    %sub3A_64 = arith.subf %exp3A_58, %convert_element_type3A_63 : vector<2048x2048xf32>
    %convert_element_type3A_65 = arith.truncf %sub3A_64 : vector<2048x2048xf32> to vector<2048x2048xbf16>
    %get3A_66 = arith.constant 0 : index
    %get3A_67 = arith.constant 64 : index
    %get3A_68 = vector.load %arg4[%get3A_66, %get3A_67] : memref<2048x128xf32, #tpu.memory_space<vmem>>, vector<2048x64xf32>
    %convert_element_type3A_69 = arith.truncf %get3A_68 : vector<2048x64xf32> to vector<2048x64xbf16>
    %convert_element_type3A_70 = arith.extf %convert_element_type3A_69 : vector<2048x64xbf16> to vector<2048x64xf32>
    %sub3A_71 = arith.subf %get3A_68, %convert_element_type3A_70 : vector<2048x64xf32>
    %convert_element_type3A_72 = arith.truncf %sub3A_71 : vector<2048x64xf32> to vector<2048x64xbf16>
    %concatenate3A_73 = tpu.concatenate %convert_element_type3A_69, %convert_element_type3A_72 in 1 : vector<2048x64xbf16>, vector<2048x64xbf16> -> vector<2048x128xbf16>
    %dot_general3A_74 = arith.constant dense<0.000000e+00> : vector<2048x128xf32>
    %dot_general3A_75 = tpu.matmul %convert_element_type3A_62, %concatenate3A_73, %dot_general3A_74 {dimension_numbers = #tpu.dot_dimension_numbers<[1], [0], [0], [1], [0, 0, 1, 1], [], []>, transpose_lhs_hint = false} : vector<2048x2048xbf16>, vector<2048x128xbf16>, vector<2048x128xf32> -> vector<2048x128xf32>
    %slice3A_76 = vector.extract_strided_slice %dot_general3A_75 {offsets = [0, 0], sizes = [2048, 64], strides = [1, 1]} : vector<2048x128xf32> to vector<2048x64xf32>
    %slice3A_77 = vector.extract_strided_slice %dot_general3A_75 {offsets = [0, 64], sizes = [2048, 64], strides = [1, 1]} : vector<2048x128xf32> to vector<2048x64xf32>
    %add3A_78 = arith.addf %slice3A_76, %slice3A_77 : vector<2048x64xf32>
    %dot_general3A_79 = arith.constant dense<0.000000e+00> : vector<2048x64xf32>
    %dot_general3A_80 = tpu.matmul %convert_element_type3A_65, %convert_element_type3A_69, %dot_general3A_79 {dimension_numbers = #tpu.dot_dimension_numbers<[1], [0], [0], [1], [0, 0, 1, 1], [], []>, transpose_lhs_hint = false} : vector<2048x2048xbf16>, vector<2048x64xbf16>, vector<2048x64xf32> -> vector<2048x64xf32>
    %add3A_81 = arith.addf %add3A_78, %dot_general3A_80 : vector<2048x64xf32>
    %div3A_82 = vector.broadcast %broadcast_in_dim3A_61 : vector<2048x1xf32> to vector<2048x64xf32>
    %div3A_83 = arith.divf %add3A_81, %div3A_82 : vector<2048x64xf32>
    %swap3A_84 = arith.constant 0 : index
    %swap3A_85 = arith.constant 64 : index
    %swap3A_86 = vector.load %arg5[%swap3A_84, %swap3A_85] : memref<2048x128xf32, #tpu.memory_space<vmem>>, vector<2048x64xf32>
    tpu.vector_store %arg5[%swap3A_84, %swap3A_85], %div3A_83 {strides = array<i32>} : memref<2048x128xf32, #tpu.memory_space<vmem>>, vector<2048x64xf32>,
    return
  }
  func.func @transform_0(%arg0: i32, %arg1: i32) -> (i32, i32) {
    %c0_i32 = arith.constant 0 : i32
    return %arg1, %arg0 : i32, i32
  }
  func.func @transform_1(%arg0: i32, %arg1: i32) -> (i32, i32) {
    %add3A = arith.constant 6 : i32
    %add3A_0 = arith.addi %add3A, %arg0 : i32
    %c0_i32 = arith.constant 0 : i32
    %c0_i32_1 = arith.constant 0 : i32
    return %c0_i32, %add3A_0 : i32, i32
  }
  func.func @transform_2(%arg0: i32, %arg1: i32) -> (i32, i32) {
    %add3A = arith.constant 12 : i32
    %add3A_0 = arith.addi %add3A, %arg0 : i32
    %c0_i32 = arith.constant 0 : i32
    %c0_i32_1 = arith.constant 0 : i32
    return %c0_i32, %add3A_0 : i32, i32
  }
  func.func @transform_3(%arg0: i32, %arg1: i32) -> (i32, i32) {
    %c0_i32 = arith.constant 0 : i32
    return %arg1, %arg0 : i32, i32
  }
}

module attributes {stable_mosaic.version = 14 : i64} {
  func.func @_qkv_kernel(%arg0: i32, %arg1: i32, %arg2: memref<2048x768xf32, #tpu.memory_space<vmem>>, %arg3: memref<768x768xf32, #tpu.memory_space<vmem>>, %arg4: memref<1x768xf32, #tpu.memory_space<vmem>>, %arg5: memref<2048x768xf32, #tpu.memory_space<vmem>>) attributes {dimension_semantics = [#tpu.dimension_semantics<parallel>, #tpu.dimension_semantics<parallel>], iteration_bounds = array<i64: 1, 3>, scalar_prefetch = 0 : i64, scratch_operands = 0 : i64, tpu.core_type = #tpu.core_type<tc>, window_params = [{transform_indices = @transform_0, window_bounds = array<i64: 2048, 768>}, {transform_indices = @transform_1, window_bounds = array<i64: 768, 768>}, {transform_indices = @transform_2, window_bounds = array<i64: 1, 768>}, {transform_indices = @transform_3, window_bounds = array<i64: 2048, 768>}]} {
    %get3A = arith.constant 0 : index
    %get3A_0 = arith.constant 0 : index
    %get3A_1 = vector.load %arg2[%get3A, %get3A_0] : memref<2048x768xf32, #tpu.memory_space<vmem>>, vector<2048x768xf32>
    %get3A_2 = arith.constant 0 : index
    %get3A_3 = arith.constant 0 : index
    %get3A_4 = vector.load %arg3[%get3A_2, %get3A_3] : memref<768x768xf32, #tpu.memory_space<vmem>>, vector<768x768xf32>
    %convert_element_type3A = arith.truncf %get3A_1 : vector<2048x768xf32> to vector<2048x768xbf16>
    %convert_element_type3A_5 = arith.extf %convert_element_type3A : vector<2048x768xbf16> to vector<2048x768xf32>
    %sub3A = arith.subf %get3A_1, %convert_element_type3A_5 : vector<2048x768xf32>
    %convert_element_type3A_6 = arith.truncf %sub3A : vector<2048x768xf32> to vector<2048x768xbf16>
    %convert_element_type3A_7 = arith.truncf %get3A_4 : vector<768x768xf32> to vector<768x768xbf16>
    %convert_element_type3A_8 = arith.extf %convert_element_type3A_7 : vector<768x768xbf16> to vector<768x768xf32>
    %sub3A_9 = arith.subf %get3A_4, %convert_element_type3A_8 : vector<768x768xf32>
    %convert_element_type3A_10 = arith.truncf %sub3A_9 : vector<768x768xf32> to vector<768x768xbf16>
    %concatenate3A = tpu.concatenate %convert_element_type3A, %convert_element_type3A_6, %convert_element_type3A in 1 : vector<2048x768xbf16>, vector<2048x768xbf16>, vector<2048x768xbf16> -> vector<2048x2304xbf16>
    %concatenate3A_11 = tpu.concatenate %convert_element_type3A_7, %convert_element_type3A_7, %convert_element_type3A_10 in 1 : vector<768x768xbf16>, vector<768x768xbf16>, vector<768x768xbf16> -> vector<768x2304xbf16>
    %dot_general3A = arith.constant dense<0.000000e+00> : vector<2048x768xf32>
    %dot_general3A_12 = tpu.matmul %concatenate3A, %concatenate3A_11, %dot_general3A {dimension_numbers = #tpu.dot_dimension_numbers<[1], [1], [0], [0], [0, 0, 1, 0], [], []>, transpose_lhs_hint = false} : vector<2048x2304xbf16>, vector<768x2304xbf16>, vector<2048x768xf32> -> vector<2048x768xf32>
    %get3A_13 = arith.constant 0 : index
    %get3A_14 = arith.constant 0 : index
    %get3A_15 = vector.load %arg4[%get3A_13, %get3A_14] : memref<1x768xf32, #tpu.memory_space<vmem>>, vector<1x768xf32>
    %add3A = vector.broadcast %get3A_15 : vector<1x768xf32> to vector<2048x768xf32>
    %add3A_16 = arith.addf %dot_general3A_12, %add3A : vector<2048x768xf32>
    %swap3A = arith.constant 0 : index
    %swap3A_17 = arith.constant 0 : index
    %swap3A_18 = vector.load %arg5[%swap3A, %swap3A_17] : memref<2048x768xf32, #tpu.memory_space<vmem>>, vector<2048x768xf32>
    tpu.vector_store %arg5[%swap3A, %swap3A_17], %add3A_16 {strides = array<i32>} : memref<2048x768xf32, #tpu.memory_space<vmem>>, vector<2048x768xf32>,
    return
  }
  func.func @transform_0(%arg0: i32, %arg1: i32) -> (i32, i32) {
    %c0_i32 = arith.constant 0 : i32
    %c0_i32_0 = arith.constant 0 : i32
    return %arg0, %c0_i32 : i32, i32
  }
  func.func @transform_1(%arg0: i32, %arg1: i32) -> (i32, i32) {
    %c0_i32 = arith.constant 0 : i32
    %c0_i32_0 = arith.constant 0 : i32
    return %arg1, %c0_i32 : i32, i32
  }
  func.func @transform_2(%arg0: i32, %arg1: i32) -> (i32, i32) {
    %c0_i32 = arith.constant 0 : i32
    %c0_i32_0 = arith.constant 0 : i32
    return %c0_i32, %arg1 : i32, i32
  }
  func.func @transform_3(%arg0: i32, %arg1: i32) -> (i32, i32) {
    %c0_i32 = arith.constant 0 : i32
    return %arg0, %arg1 : i32, i32
  }
}

module attributes {stable_mosaic.version = 14 : i64} {
  func.func @_post_kernel(%arg0: memref<2048x768xf32, #tpu.memory_space<vmem>>, %arg1: memref<2048x768xf32, #tpu.memory_space<vmem>>, %arg2: memref<768x768xf32, #tpu.memory_space<vmem>>, %arg3: memref<1x768xf32, #tpu.memory_space<vmem>>, %arg4: memref<1x768xf32, #tpu.memory_space<vmem>>, %arg5: memref<1x768xf32, #tpu.memory_space<vmem>>, %arg6: memref<768x64xf32, #tpu.memory_space<vmem>>, %arg7: memref<2048x768xf32, #tpu.memory_space<vmem>>, %arg8: memref<2048x1xf32, #tpu.memory_space<vmem>>, %arg9: memref<2048x6xi32, #tpu.memory_space<vmem>>, %arg10: memref<2048x6xi32, #tpu.memory_space<vmem>>) attributes {dimension_semantics = [], scalar_prefetch = 0 : i64, scratch_operands = 0 : i64, tpu.core_type = #tpu.core_type<tc>} {
    %get3A = arith.constant 0 : index
    %get3A_0 = arith.constant 0 : index
    %get3A_1 = vector.load %arg0[%get3A, %get3A_0] : memref<2048x768xf32, #tpu.memory_space<vmem>>, vector<2048x768xf32>
    %get3A_2 = arith.constant 0 : index
    %get3A_3 = arith.constant 0 : index
    %get3A_4 = vector.load %arg2[%get3A_2, %get3A_3] : memref<768x768xf32, #tpu.memory_space<vmem>>, vector<768x768xf32>
    %convert_element_type3A = arith.truncf %get3A_1 : vector<2048x768xf32> to vector<2048x768xbf16>
    %convert_element_type3A_5 = arith.extf %convert_element_type3A : vector<2048x768xbf16> to vector<2048x768xf32>
    %sub3A = arith.subf %get3A_1, %convert_element_type3A_5 : vector<2048x768xf32>
    %convert_element_type3A_6 = arith.truncf %sub3A : vector<2048x768xf32> to vector<2048x768xbf16>
    %convert_element_type3A_7 = arith.truncf %get3A_4 : vector<768x768xf32> to vector<768x768xbf16>
    %convert_element_type3A_8 = arith.extf %convert_element_type3A_7 : vector<768x768xbf16> to vector<768x768xf32>
    %sub3A_9 = arith.subf %get3A_4, %convert_element_type3A_8 : vector<768x768xf32>
    %convert_element_type3A_10 = arith.truncf %sub3A_9 : vector<768x768xf32> to vector<768x768xbf16>
    %concatenate3A = tpu.concatenate %convert_element_type3A, %convert_element_type3A_6, %convert_element_type3A in 1 : vector<2048x768xbf16>, vector<2048x768xbf16>, vector<2048x768xbf16> -> vector<2048x2304xbf16>
    %concatenate3A_11 = tpu.concatenate %convert_element_type3A_7, %convert_element_type3A_7, %convert_element_type3A_10 in 1 : vector<768x768xbf16>, vector<768x768xbf16>, vector<768x768xbf16> -> vector<768x2304xbf16>
    %dot_general3A = arith.constant dense<0.000000e+00> : vector<2048x768xf32>
    %dot_general3A_12 = tpu.matmul %concatenate3A, %concatenate3A_11, %dot_general3A {dimension_numbers = #tpu.dot_dimension_numbers<[1], [1], [0], [0], [0, 0, 1, 0], [], []>, transpose_lhs_hint = false} : vector<2048x2304xbf16>, vector<768x2304xbf16>, vector<2048x768xf32> -> vector<2048x768xf32>
    %get3A_13 = arith.constant 0 : index
    %get3A_14 = arith.constant 0 : index
    %get3A_15 = vector.load %arg3[%get3A_13, %get3A_14] : memref<1x768xf32, #tpu.memory_space<vmem>>, vector<1x768xf32>
    %add3A = vector.broadcast %get3A_15 : vector<1x768xf32> to vector<2048x768xf32>
    %add3A_16 = arith.addf %dot_general3A_12, %add3A : vector<2048x768xf32>
    %get3A_17 = arith.constant 0 : index
    %get3A_18 = arith.constant 0 : index
    %get3A_19 = vector.load %arg1[%get3A_17, %get3A_18] : memref<2048x768xf32, #tpu.memory_space<vmem>>, vector<2048x768xf32>
    %add3A_20 = arith.addf %add3A_16, %get3A_19 : vector<2048x768xf32>
    %reduce_sum3A = arith.constant dense<0.000000e+00> : vector<2048xf32>
    %reduce_sum3A_21 = vector.multi_reduction <add>, %add3A_20, %reduce_sum3A [1] : vector<2048x768xf32> to vector<2048xf32>
    %broadcast_in_dim3A = vector.shape_cast %reduce_sum3A_21 : vector<2048xf32> to vector<2048x1xf32>
    %div3A = arith.constant 7.680000e+02 : f32
    %div3A_22 = vector.broadcast %div3A : f32 to vector<2048x1xf32>
    %div3A_23 = arith.divf %broadcast_in_dim3A, %div3A_22 : vector<2048x1xf32>
    %sub3A_24 = vector.broadcast %div3A_23 : vector<2048x1xf32> to vector<2048x768xf32>
    %sub3A_25 = arith.subf %add3A_20, %sub3A_24 : vector<2048x768xf32>
    %integer_pow3A = arith.mulf %sub3A_25, %sub3A_25 : vector<2048x768xf32>
    %reduce_sum3A_26 = arith.constant dense<0.000000e+00> : vector<2048xf32>
    %reduce_sum3A_27 = vector.multi_reduction <add>, %integer_pow3A, %reduce_sum3A_26 [1] : vector<2048x768xf32> to vector<2048xf32>
    %broadcast_in_dim3A_28 = vector.shape_cast %reduce_sum3A_27 : vector<2048xf32> to vector<2048x1xf32>
    %div3A_29 = arith.constant 7.680000e+02 : f32
    %div3A_30 = vector.broadcast %div3A_29 : f32 to vector<2048x1xf32>
    %div3A_31 = arith.divf %broadcast_in_dim3A_28, %div3A_30 : vector<2048x1xf32>
    %sub3A_32 = vector.broadcast %div3A_23 : vector<2048x1xf32> to vector<2048x768xf32>
    %sub3A_33 = arith.subf %add3A_20, %sub3A_32 : vector<2048x768xf32>
    %add3A_34 = arith.constant 9.99999974E-6 : f32
    %add3A_35 = vector.broadcast %add3A_34 : f32 to vector<2048x1xf32>
    %add3A_36 = arith.addf %div3A_31, %add3A_35 : vector<2048x1xf32>
    %sqrt3A = math.sqrt %add3A_36 : vector<2048x1xf32>
    %div3A_37 = vector.broadcast %sqrt3A : vector<2048x1xf32> to vector<2048x768xf32>
    %div3A_38 = arith.divf %sub3A_33, %div3A_37 : vector<2048x768xf32>
    %get3A_39 = arith.constant 0 : index
    %get3A_40 = arith.constant 0 : index
    %get3A_41 = vector.load %arg4[%get3A_39, %get3A_40] : memref<1x768xf32, #tpu.memory_space<vmem>>, vector<1x768xf32>
    %mul3A = vector.broadcast %get3A_41 : vector<1x768xf32> to vector<2048x768xf32>
    %mul3A_42 = arith.mulf %div3A_38, %mul3A : vector<2048x768xf32>
    %get3A_43 = arith.constant 0 : index
    %get3A_44 = arith.constant 0 : index
    %get3A_45 = vector.load %arg5[%get3A_43, %get3A_44] : memref<1x768xf32, #tpu.memory_space<vmem>>, vector<1x768xf32>
    %add3A_46 = vector.broadcast %get3A_45 : vector<1x768xf32> to vector<2048x768xf32>
    %add3A_47 = arith.addf %mul3A_42, %add3A_46 : vector<2048x768xf32>
    %swap3A = arith.constant 0 : index
    %swap3A_48 = arith.constant 0 : index
    %swap3A_49 = vector.load %arg7[%swap3A, %swap3A_48] : memref<2048x768xf32, #tpu.memory_space<vmem>>, vector<2048x768xf32>
    tpu.vector_store %arg7[%swap3A, %swap3A_48], %add3A_47 {strides = array<i32>} : memref<2048x768xf32, #tpu.memory_space<vmem>>, vector<2048x768xf32>,
    %get3A_50 = arith.constant 0 : index
    %get3A_51 = arith.constant 0 : index
    %get3A_52 = vector.load %arg6[%get3A_50, %get3A_51] : memref<768x64xf32, #tpu.memory_space<vmem>>, vector<768x64xf32>
    %convert_element_type3A_53 = arith.truncf %add3A_47 : vector<2048x768xf32> to vector<2048x768xbf16>
    %convert_element_type3A_54 = arith.extf %convert_element_type3A_53 : vector<2048x768xbf16> to vector<2048x768xf32>
    %sub3A_55 = arith.subf %add3A_47, %convert_element_type3A_54 : vector<2048x768xf32>
    %convert_element_type3A_56 = arith.truncf %sub3A_55 : vector<2048x768xf32> to vector<2048x768xbf16>
    %convert_element_type3A_57 = arith.truncf %get3A_52 : vector<768x64xf32> to vector<768x64xbf16>
    %convert_element_type3A_58 = arith.extf %convert_element_type3A_57 : vector<768x64xbf16> to vector<768x64xf32>
    %sub3A_59 = arith.subf %get3A_52, %convert_element_type3A_58 : vector<768x64xf32>
    %convert_element_type3A_60 = arith.truncf %sub3A_59 : vector<768x64xf32> to vector<768x64xbf16>
    %concatenate3A_61 = tpu.concatenate %convert_element_type3A_53, %convert_element_type3A_56, %convert_element_type3A_53 in 1 : vector<2048x768xbf16>, vector<2048x768xbf16>, vector<2048x768xbf16> -> vector<2048x2304xbf16>
    %concatenate3A_62 = tpu.concatenate %convert_element_type3A_57, %convert_element_type3A_57, %convert_element_type3A_60 in 0 : vector<768x64xbf16>, vector<768x64xbf16>, vector<768x64xbf16> -> vector<2304x64xbf16>
    %dot_general3A_63 = arith.constant dense<0.000000e+00> : vector<2048x64xf32>
    %dot_general3A_64 = tpu.matmul %concatenate3A_61, %concatenate3A_62, %dot_general3A_63 {dimension_numbers = #tpu.dot_dimension_numbers<[1], [0], [0], [1], [0, 0, 1, 1], [], []>, transpose_lhs_hint = false} : vector<2048x2304xbf16>, vector<2304x64xbf16>, vector<2048x64xf32> -> vector<2048x64xf32>
    %reduce_max3A = arith.constant dense<0xFF800000> : vector<2048xf32>
    %reduce_max3A_65 = vector.multi_reduction <maximumf>, %dot_general3A_64, %reduce_max3A [1] : vector<2048x64xf32> to vector<2048xf32>
    %broadcast_in_dim3A_66 = vector.shape_cast %reduce_max3A_65 : vector<2048xf32> to vector<2048x1xf32>
    %sub3A_67 = vector.broadcast %broadcast_in_dim3A_66 : vector<2048x1xf32> to vector<2048x64xf32>
    %sub3A_68 = arith.subf %dot_general3A_64, %sub3A_67 : vector<2048x64xf32>
    %exp3A = math.exp %sub3A_68 : vector<2048x64xf32>
    %reduce_sum3A_69 = arith.constant dense<0.000000e+00> : vector<2048xf32>
    %reduce_sum3A_70 = vector.multi_reduction <add>, %exp3A, %reduce_sum3A_69 [1] : vector<2048x64xf32> to vector<2048xf32>
    %div3A_71 = arith.constant 1.000000e+00 : f32
    %div3A_72 = vector.broadcast %div3A_71 : f32 to vector<2048xf32>
    %div3A_73 = arith.divf %div3A_72, %reduce_sum3A_70 : vector<2048xf32>
    %argmax3A = tpu.reduce_index %dot_general3A_64 {axis = 1 : i32, kind = #tpu.reduction_kind<arg_max>} : vector<2048x64xf32> -> vector<2048xi32>
    %iota3A = tpu.iota {dimensions = array<i32: 1>} : vector<2048x64xi32>
    %broadcast_in_dim3A_74 = vector.shape_cast %argmax3A : vector<2048xi32> to vector<2048x1xi32>
    %eq3A = vector.broadcast %broadcast_in_dim3A_74 : vector<2048x1xi32> to vector<2048x64xi32>
    %eq3A_75 = arith.cmpi eq, %iota3A, %eq3A : vector<2048x64xi32>
    %convert_element_type3A_76 = arith.extui %eq3A_75 : vector<2048x64xi1> to vector<2048x64xi32>
    %convert_element_type3A_77 = arith.sitofp %convert_element_type3A_76 : vector<2048x64xi32> to vector<2048x64xf32>
    %broadcast_in_dim3A_78 = arith.constant 0.000000e+00 : f32
    %broadcast_in_dim3A_79 = vector.broadcast %broadcast_in_dim3A_78 : f32 to vector<1x64xf32>
    %slice3A = vector.extract_strided_slice %convert_element_type3A_77 {offsets = [0, 0], sizes = [2047, 64], strides = [1, 1]} : vector<2048x64xf32> to vector<2047x64xf32>
    %concatenate3A_80 = tpu.concatenate %broadcast_in_dim3A_79, %slice3A in 0 : vector<1x64xf32>, vector<2047x64xf32> -> vector<2048x64xf32>
    %add3A_81 = arith.addf %convert_element_type3A_77, %concatenate3A_80 : vector<2048x64xf32>
    %broadcast_in_dim3A_82 = arith.constant 0.000000e+00 : f32
    %broadcast_in_dim3A_83 = vector.broadcast %broadcast_in_dim3A_82 : f32 to vector<2x64xf32>
    %slice3A_84 = vector.extract_strided_slice %add3A_81 {offsets = [0, 0], sizes = [2046, 64], strides = [1, 1]} : vector<2048x64xf32> to vector<2046x64xf32>
    %concatenate3A_85 = tpu.concatenate %broadcast_in_dim3A_83, %slice3A_84 in 0 : vector<2x64xf32>, vector<2046x64xf32> -> vector<2048x64xf32>
    %add3A_86 = arith.addf %add3A_81, %concatenate3A_85 : vector<2048x64xf32>
    %broadcast_in_dim3A_87 = arith.constant 0.000000e+00 : f32
    %broadcast_in_dim3A_88 = vector.broadcast %broadcast_in_dim3A_87 : f32 to vector<4x64xf32>
    %slice3A_89 = vector.extract_strided_slice %add3A_86 {offsets = [0, 0], sizes = [2044, 64], strides = [1, 1]} : vector<2048x64xf32> to vector<2044x64xf32>
    %concatenate3A_90 = tpu.concatenate %broadcast_in_dim3A_88, %slice3A_89 in 0 : vector<4x64xf32>, vector<2044x64xf32> -> vector<2048x64xf32>
    %add3A_91 = arith.addf %add3A_86, %concatenate3A_90 : vector<2048x64xf32>
    %broadcast_in_dim3A_92 = arith.constant 0.000000e+00 : f32
    %broadcast_in_dim3A_93 = vector.broadcast %broadcast_in_dim3A_92 : f32 to vector<8x64xf32>
    %slice3A_94 = vector.extract_strided_slice %add3A_91 {offsets = [0, 0], sizes = [2040, 64], strides = [1, 1]} : vector<2048x64xf32> to vector<2040x64xf32>
    %concatenate3A_95 = tpu.concatenate %broadcast_in_dim3A_93, %slice3A_94 in 0 : vector<8x64xf32>, vector<2040x64xf32> -> vector<2048x64xf32>
    %add3A_96 = arith.addf %add3A_91, %concatenate3A_95 : vector<2048x64xf32>
    %broadcast_in_dim3A_97 = arith.constant 0.000000e+00 : f32
    %broadcast_in_dim3A_98 = vector.broadcast %broadcast_in_dim3A_97 : f32 to vector<16x64xf32>
    %slice3A_99 = vector.extract_strided_slice %add3A_96 {offsets = [0, 0], sizes = [2032, 64], strides = [1, 1]} : vector<2048x64xf32> to vector<2032x64xf32>
    %concatenate3A_100 = tpu.concatenate %broadcast_in_dim3A_98, %slice3A_99 in 0 : vector<16x64xf32>, vector<2032x64xf32> -> vector<2048x64xf32>
    %add3A_101 = arith.addf %add3A_96, %concatenate3A_100 : vector<2048x64xf32>
    %broadcast_in_dim3A_102 = arith.constant 0.000000e+00 : f32
    %broadcast_in_dim3A_103 = vector.broadcast %broadcast_in_dim3A_102 : f32 to vector<32x64xf32>
    %slice3A_104 = vector.extract_strided_slice %add3A_101 {offsets = [0, 0], sizes = [2016, 64], strides = [1, 1]} : vector<2048x64xf32> to vector<2016x64xf32>
    %concatenate3A_105 = tpu.concatenate %broadcast_in_dim3A_103, %slice3A_104 in 0 : vector<32x64xf32>, vector<2016x64xf32> -> vector<2048x64xf32>
    %add3A_106 = arith.addf %add3A_101, %concatenate3A_105 : vector<2048x64xf32>
    %broadcast_in_dim3A_107 = arith.constant 0.000000e+00 : f32
    %broadcast_in_dim3A_108 = vector.broadcast %broadcast_in_dim3A_107 : f32 to vector<64x64xf32>
    %slice3A_109 = vector.extract_strided_slice %add3A_106 {offsets = [0, 0], sizes = [1984, 64], strides = [1, 1]} : vector<2048x64xf32> to vector<1984x64xf32>
    %concatenate3A_110 = tpu.concatenate %broadcast_in_dim3A_108, %slice3A_109 in 0 : vector<64x64xf32>, vector<1984x64xf32> -> vector<2048x64xf32>
    %add3A_111 = arith.addf %add3A_106, %concatenate3A_110 : vector<2048x64xf32>
    %broadcast_in_dim3A_112 = arith.constant 0.000000e+00 : f32
    %broadcast_in_dim3A_113 = vector.broadcast %broadcast_in_dim3A_112 : f32 to vector<128x64xf32>
    %slice3A_114 = vector.extract_strided_slice %add3A_111 {offsets = [0, 0], sizes = [1920, 64], strides = [1, 1]} : vector<2048x64xf32> to vector<1920x64xf32>
    %concatenate3A_115 = tpu.concatenate %broadcast_in_dim3A_113, %slice3A_114 in 0 : vector<128x64xf32>, vector<1920x64xf32> -> vector<2048x64xf32>
    %add3A_116 = arith.addf %add3A_111, %concatenate3A_115 : vector<2048x64xf32>
    %broadcast_in_dim3A_117 = arith.constant 0.000000e+00 : f32
    %broadcast_in_dim3A_118 = vector.broadcast %broadcast_in_dim3A_117 : f32 to vector<256x64xf32>
    %slice3A_119 = vector.extract_strided_slice %add3A_116 {offsets = [0, 0], sizes = [1792, 64], strides = [1, 1]} : vector<2048x64xf32> to vector<1792x64xf32>
    %concatenate3A_120 = tpu.concatenate %broadcast_in_dim3A_118, %slice3A_119 in 0 : vector<256x64xf32>, vector<1792x64xf32> -> vector<2048x64xf32>
    %add3A_121 = arith.addf %add3A_116, %concatenate3A_120 : vector<2048x64xf32>
    %broadcast_in_dim3A_122 = arith.constant 0.000000e+00 : f32
    %broadcast_in_dim3A_123 = vector.broadcast %broadcast_in_dim3A_122 : f32 to vector<512x64xf32>
    %slice3A_124 = vector.extract_strided_slice %add3A_121 {offsets = [0, 0], sizes = [1536, 64], strides = [1, 1]} : vector<2048x64xf32> to vector<1536x64xf32>
    %concatenate3A_125 = tpu.concatenate %broadcast_in_dim3A_123, %slice3A_124 in 0 : vector<512x64xf32>, vector<1536x64xf32> -> vector<2048x64xf32>
    %add3A_126 = arith.addf %add3A_121, %concatenate3A_125 : vector<2048x64xf32>
    %broadcast_in_dim3A_127 = arith.constant 0.000000e+00 : f32
    %broadcast_in_dim3A_128 = vector.broadcast %broadcast_in_dim3A_127 : f32 to vector<1024x64xf32>
    %slice3A_129 = vector.extract_strided_slice %add3A_126 {offsets = [0, 0], sizes = [1024, 64], strides = [1, 1]} : vector<2048x64xf32> to vector<1024x64xf32>
    %concatenate3A_130 = tpu.concatenate %broadcast_in_dim3A_128, %slice3A_129 in 0 : vector<1024x64xf32>, vector<1024x64xf32> -> vector<2048x64xf32>
    %add3A_131 = arith.addf %add3A_126, %concatenate3A_130 : vector<2048x64xf32>
    %sub3A_132 = arith.subf %add3A_131, %convert_element_type3A_77 : vector<2048x64xf32>
    %mul3A_133 = arith.mulf %sub3A_132, %convert_element_type3A_77 : vector<2048x64xf32>
    %reduce_sum3A_134 = arith.constant dense<0.000000e+00> : vector<2048xf32>
    %reduce_sum3A_135 = vector.multi_reduction <add>, %mul3A_133, %reduce_sum3A_134 [1] : vector<2048x64xf32> to vector<2048xf32>
    %convert_element_type3A_136 = arith.fptosi %reduce_sum3A_135 : vector<2048xf32> to vector<2048xi32>
    %lt3A = arith.constant 64 : i32
    %lt3A_137 = vector.broadcast %lt3A : i32 to vector<2048xi32>
    %lt3A_138 = arith.cmpi slt, %convert_element_type3A_136, %lt3A_137 : vector<2048xi32>
    %mul3A_139 = arith.constant 64 : i32
    %mul3A_140 = vector.broadcast %mul3A_139 : i32 to vector<2048xi32>
    %mul3A_141 = arith.muli %argmax3A, %mul3A_140 : vector<2048xi32>
    %min3A = arith.constant 63 : i32
    %min3A_142 = vector.broadcast %min3A : i32 to vector<2048xi32>
    %min3A_143 = arith.minsi %convert_element_type3A_136, %min3A_142 : vector<2048xi32>
    %add3A_144 = arith.addi %mul3A_141, %min3A_143 : vector<2048xi32>
    %jit3A = arith.constant 0.000000e+00 : f32
    %broadcast_in_dim3A_145 = vector.broadcast %jit3A : f32 to vector<2048xf32>
    %select_n3A = arith.select %lt3A_138, %div3A_73, %broadcast_in_dim3A_145 : vector<2048xi1>, vector<2048xf32>
    %broadcast_in_dim3A_146 = vector.shape_cast %select_n3A : vector<2048xf32> to vector<2048x1xf32>
    %swap3A_147 = arith.constant 0 : index
    %swap3A_148 = arith.constant 0 : index
    %swap3A_149 = vector.load %arg8[%swap3A_147, %swap3A_148] : memref<2048x1xf32, #tpu.memory_space<vmem>>, vector<2048x1xf32>
    tpu.vector_store %arg8[%swap3A_147, %swap3A_148], %broadcast_in_dim3A_146 {strides = array<i32>} : memref<2048x1xf32, #tpu.memory_space<vmem>>, vector<2048x1xf32>,
    %iota3A_150 = tpu.iota {dimensions = array<i32: 1>} : vector<2048x6xi32>
    %jit3A_151 = arith.constant 4096 : i32
    %broadcast_in_dim3A_152 = vector.broadcast %jit3A_151 : i32 to vector<2048xi32>
    %select_n3A_153 = arith.select %lt3A_138, %add3A_144, %broadcast_in_dim3A_152 : vector<2048xi1>, vector<2048xi32>
    %broadcast_in_dim3A_154 = vector.shape_cast %select_n3A_153 : vector<2048xi32> to vector<2048x1xi32>
    %mul3A_155 = arith.constant 6 : i32
    %mul3A_156 = vector.broadcast %mul3A_155 : i32 to vector<2048x1xi32>
    %mul3A_157 = arith.muli %broadcast_in_dim3A_154, %mul3A_156 : vector<2048x1xi32>
    %add3A_158 = vector.broadcast %mul3A_157 : vector<2048x1xi32> to vector<2048x6xi32>
    %add3A_159 = arith.addi %add3A_158, %iota3A_150 : vector<2048x6xi32>
    %swap3A_160 = arith.constant 0 : index
    %swap3A_161 = arith.constant 0 : index
    %swap3A_162 = vector.load %arg9[%swap3A_160, %swap3A_161] : memref<2048x6xi32, #tpu.memory_space<vmem>>, vector<2048x6xi32>
    tpu.vector_store %arg9[%swap3A_160, %swap3A_161], %add3A_159 {strides = array<i32>} : memref<2048x6xi32, #tpu.memory_space<vmem>>, vector<2048x6xi32>,
    %jit3A_163 = arith.constant 0 : i32
    %broadcast_in_dim3A_164 = vector.broadcast %jit3A_163 : i32 to vector<2048xi32>
    %select_n3A_165 = arith.select %lt3A_138, %add3A_144, %broadcast_in_dim3A_164 : vector<2048xi1>, vector<2048xi32>
    %broadcast_in_dim3A_166 = vector.shape_cast %select_n3A_165 : vector<2048xi32> to vector<2048x1xi32>
    %mul3A_167 = arith.constant 6 : i32
    %mul3A_168 = vector.broadcast %mul3A_167 : i32 to vector<2048x1xi32>
    %mul3A_169 = arith.muli %broadcast_in_dim3A_166, %mul3A_168 : vector<2048x1xi32>
    %add3A_170 = vector.broadcast %mul3A_169 : vector<2048x1xi32> to vector<2048x6xi32>
    %add3A_171 = arith.addi %add3A_170, %iota3A_150 : vector<2048x6xi32>
    %swap3A_172 = arith.constant 0 : index
    %swap3A_173 = arith.constant 0 : index
    %swap3A_174 = vector.load %arg10[%swap3A_172, %swap3A_173] : memref<2048x6xi32, #tpu.memory_space<vmem>>, vector<2048x6xi32>
    tpu.vector_store %arg10[%swap3A_172, %swap3A_173], %add3A_171 {strides = array<i32>} : memref<2048x6xi32, #tpu.memory_space<vmem>>, vector<2048x6xi32>,
    return
  }
}

module attributes {stable_mosaic.version = 14 : i64} {
  func.func @_ffn_kernel(%arg0: i32, %arg1: memref<256x768xf32, #tpu.memory_space<vmem>>, %arg2: memref<4x768x512xf32, #tpu.memory_space<vmem>>, %arg3: memref<4x1x512xf32, #tpu.memory_space<vmem>>, %arg4: memref<4x512x768xf32, #tpu.memory_space<vmem>>, %arg5: memref<4x1x768xf32, #tpu.memory_space<vmem>>, %arg6: memref<256x768xf32, #tpu.memory_space<vmem>>) attributes {dimension_semantics = [#tpu.dimension_semantics<parallel>], iteration_bounds = array<i64: 16>, scalar_prefetch = 0 : i64, scratch_operands = 0 : i64, tpu.core_type = #tpu.core_type<tc>, window_params = [{transform_indices = @transform_0, window_bounds = array<i64: 256, 768>}, {transform_indices = @transform_1, window_bounds = array<i64: 4, 768, 512>}, {transform_indices = @transform_2, window_bounds = array<i64: 4, 1, 512>}, {transform_indices = @transform_3, window_bounds = array<i64: 4, 512, 768>}, {transform_indices = @transform_4, window_bounds = array<i64: 4, 1, 768>}, {transform_indices = @transform_5, window_bounds = array<i64: 256, 768>}]} {
    %get3A = arith.constant 0 : index
    %get3A_0 = arith.constant 0 : index
    %get3A_1 = vector.load %arg1[%get3A, %get3A_0] : memref<256x768xf32, #tpu.memory_space<vmem>>, vector<64x768xf32>
    %convert_element_type3A = arith.truncf %get3A_1 : vector<64x768xf32> to vector<64x768xbf16>
    %get3A_2 = arith.constant 0 : index
    %get3A_3 = arith.constant 0 : index
    %get3A_4 = arith.constant 0 : index
    %get3A_5 = vector.load %arg2[%get3A_2, %get3A_3, %get3A_4] : memref<4x768x512xf32, #tpu.memory_space<vmem>>, vector<1x768x512xf32>
    %get3A_6 = vector.shape_cast %get3A_5 : vector<1x768x512xf32> to vector<768x512xf32>
    %convert_element_type3A_7 = arith.truncf %get3A_6 : vector<768x512xf32> to vector<768x512xbf16>
    %dot_general3A = arith.constant dense<0.000000e+00> : vector<64x512xf32>
    %dot_general3A_8 = tpu.matmul %convert_element_type3A, %convert_element_type3A_7, %dot_general3A {dimension_numbers = #tpu.dot_dimension_numbers<[1], [0], [0], [1], [0, 0, 1, 1], [], []>, transpose_lhs_hint = false} : vector<64x768xbf16>, vector<768x512xbf16>, vector<64x512xf32> -> vector<64x512xf32>
    %get3A_9 = arith.constant 0 : index
    %get3A_10 = arith.constant 0 : index
    %get3A_11 = arith.constant 0 : index
    %get3A_12 = vector.load %arg3[%get3A_9, %get3A_10, %get3A_11] : memref<4x1x512xf32, #tpu.memory_space<vmem>>, vector<1x1x512xf32>
    %get3A_13 = vector.shape_cast %get3A_12 : vector<1x1x512xf32> to vector<1x512xf32>
    %add3A = vector.broadcast %get3A_13 : vector<1x512xf32> to vector<64x512xf32>
    %add3A_14 = arith.addf %dot_general3A_8, %add3A : vector<64x512xf32>
    %max3A = arith.constant 0.000000e+00 : f32
    %max3A_15 = vector.broadcast %max3A : f32 to vector<64x512xf32>
    %max3A_16 = arith.maximumf %add3A_14, %max3A_15 : vector<64x512xf32>
    %convert_element_type3A_17 = arith.truncf %max3A_16 : vector<64x512xf32> to vector<64x512xbf16>
    %get3A_18 = arith.constant 0 : index
    %get3A_19 = arith.constant 0 : index
    %get3A_20 = arith.constant 0 : index
    %get3A_21 = vector.load %arg4[%get3A_18, %get3A_19, %get3A_20] : memref<4x512x768xf32, #tpu.memory_space<vmem>>, vector<1x512x768xf32>
    %get3A_22 = vector.shape_cast %get3A_21 : vector<1x512x768xf32> to vector<512x768xf32>
    %convert_element_type3A_23 = arith.truncf %get3A_22 : vector<512x768xf32> to vector<512x768xbf16>
    %dot_general3A_24 = arith.constant dense<0.000000e+00> : vector<64x768xf32>
    %dot_general3A_25 = tpu.matmul %convert_element_type3A_17, %convert_element_type3A_23, %dot_general3A_24 {dimension_numbers = #tpu.dot_dimension_numbers<[1], [0], [0], [1], [0, 0, 1, 1], [], []>, transpose_lhs_hint = false} : vector<64x512xbf16>, vector<512x768xbf16>, vector<64x768xf32> -> vector<64x768xf32>
    %get3A_26 = arith.constant 0 : index
    %get3A_27 = arith.constant 0 : index
    %get3A_28 = arith.constant 0 : index
    %get3A_29 = vector.load %arg5[%get3A_26, %get3A_27, %get3A_28] : memref<4x1x768xf32, #tpu.memory_space<vmem>>, vector<1x1x768xf32>
    %get3A_30 = vector.shape_cast %get3A_29 : vector<1x1x768xf32> to vector<1x768xf32>
    %add3A_31 = vector.broadcast %get3A_30 : vector<1x768xf32> to vector<64x768xf32>
    %add3A_32 = arith.addf %dot_general3A_25, %add3A_31 : vector<64x768xf32>
    %swap3A = arith.constant 0 : index
    %swap3A_33 = arith.constant 0 : index
    %swap3A_34 = vector.load %arg6[%swap3A, %swap3A_33] : memref<256x768xf32, #tpu.memory_space<vmem>>, vector<64x768xf32>
    tpu.vector_store %arg6[%swap3A, %swap3A_33], %add3A_32 {strides = array<i32>} : memref<256x768xf32, #tpu.memory_space<vmem>>, vector<64x768xf32>,
    %get3A_35 = arith.constant 64 : index
    %get3A_36 = arith.constant 0 : index
    %get3A_37 = vector.load %arg1[%get3A_35, %get3A_36] : memref<256x768xf32, #tpu.memory_space<vmem>>, vector<64x768xf32>
    %convert_element_type3A_38 = arith.truncf %get3A_37 : vector<64x768xf32> to vector<64x768xbf16>
    %get3A_39 = arith.constant 1 : index
    %get3A_40 = arith.constant 0 : index
    %get3A_41 = arith.constant 0 : index
    %get3A_42 = vector.load %arg2[%get3A_39, %get3A_40, %get3A_41] : memref<4x768x512xf32, #tpu.memory_space<vmem>>, vector<1x768x512xf32>
    %get3A_43 = vector.shape_cast %get3A_42 : vector<1x768x512xf32> to vector<768x512xf32>
    %convert_element_type3A_44 = arith.truncf %get3A_43 : vector<768x512xf32> to vector<768x512xbf16>
    %dot_general3A_45 = arith.constant dense<0.000000e+00> : vector<64x512xf32>
    %dot_general3A_46 = tpu.matmul %convert_element_type3A_38, %convert_element_type3A_44, %dot_general3A_45 {dimension_numbers = #tpu.dot_dimension_numbers<[1], [0], [0], [1], [0, 0, 1, 1], [], []>, transpose_lhs_hint = false} : vector<64x768xbf16>, vector<768x512xbf16>, vector<64x512xf32> -> vector<64x512xf32>
    %get3A_47 = arith.constant 1 : index
    %get3A_48 = arith.constant 0 : index
    %get3A_49 = arith.constant 0 : index
    %get3A_50 = vector.load %arg3[%get3A_47, %get3A_48, %get3A_49] : memref<4x1x512xf32, #tpu.memory_space<vmem>>, vector<1x1x512xf32>
    %get3A_51 = vector.shape_cast %get3A_50 : vector<1x1x512xf32> to vector<1x512xf32>
    %add3A_52 = vector.broadcast %get3A_51 : vector<1x512xf32> to vector<64x512xf32>
    %add3A_53 = arith.addf %dot_general3A_46, %add3A_52 : vector<64x512xf32>
    %max3A_54 = arith.constant 0.000000e+00 : f32
    %max3A_55 = vector.broadcast %max3A_54 : f32 to vector<64x512xf32>
    %max3A_56 = arith.maximumf %add3A_53, %max3A_55 : vector<64x512xf32>
    %convert_element_type3A_57 = arith.truncf %max3A_56 : vector<64x512xf32> to vector<64x512xbf16>
    %get3A_58 = arith.constant 1 : index
    %get3A_59 = arith.constant 0 : index
    %get3A_60 = arith.constant 0 : index
    %get3A_61 = vector.load %arg4[%get3A_58, %get3A_59, %get3A_60] : memref<4x512x768xf32, #tpu.memory_space<vmem>>, vector<1x512x768xf32>
    %get3A_62 = vector.shape_cast %get3A_61 : vector<1x512x768xf32> to vector<512x768xf32>
    %convert_element_type3A_63 = arith.truncf %get3A_62 : vector<512x768xf32> to vector<512x768xbf16>
    %dot_general3A_64 = arith.constant dense<0.000000e+00> : vector<64x768xf32>
    %dot_general3A_65 = tpu.matmul %convert_element_type3A_57, %convert_element_type3A_63, %dot_general3A_64 {dimension_numbers = #tpu.dot_dimension_numbers<[1], [0], [0], [1], [0, 0, 1, 1], [], []>, transpose_lhs_hint = false} : vector<64x512xbf16>, vector<512x768xbf16>, vector<64x768xf32> -> vector<64x768xf32>
    %get3A_66 = arith.constant 1 : index
    %get3A_67 = arith.constant 0 : index
    %get3A_68 = arith.constant 0 : index
    %get3A_69 = vector.load %arg5[%get3A_66, %get3A_67, %get3A_68] : memref<4x1x768xf32, #tpu.memory_space<vmem>>, vector<1x1x768xf32>
    %get3A_70 = vector.shape_cast %get3A_69 : vector<1x1x768xf32> to vector<1x768xf32>
    %add3A_71 = vector.broadcast %get3A_70 : vector<1x768xf32> to vector<64x768xf32>
    %add3A_72 = arith.addf %dot_general3A_65, %add3A_71 : vector<64x768xf32>
    %swap3A_73 = arith.constant 64 : index
    %swap3A_74 = arith.constant 0 : index
    %swap3A_75 = vector.load %arg6[%swap3A_73, %swap3A_74] : memref<256x768xf32, #tpu.memory_space<vmem>>, vector<64x768xf32>
    tpu.vector_store %arg6[%swap3A_73, %swap3A_74], %add3A_72 {strides = array<i32>} : memref<256x768xf32, #tpu.memory_space<vmem>>, vector<64x768xf32>,
    %get3A_76 = arith.constant 128 : index
    %get3A_77 = arith.constant 0 : index
    %get3A_78 = vector.load %arg1[%get3A_76, %get3A_77] : memref<256x768xf32, #tpu.memory_space<vmem>>, vector<64x768xf32>
    %convert_element_type3A_79 = arith.truncf %get3A_78 : vector<64x768xf32> to vector<64x768xbf16>
    %get3A_80 = arith.constant 2 : index
    %get3A_81 = arith.constant 0 : index
    %get3A_82 = arith.constant 0 : index
    %get3A_83 = vector.load %arg2[%get3A_80, %get3A_81, %get3A_82] : memref<4x768x512xf32, #tpu.memory_space<vmem>>, vector<1x768x512xf32>
    %get3A_84 = vector.shape_cast %get3A_83 : vector<1x768x512xf32> to vector<768x512xf32>
    %convert_element_type3A_85 = arith.truncf %get3A_84 : vector<768x512xf32> to vector<768x512xbf16>
    %dot_general3A_86 = arith.constant dense<0.000000e+00> : vector<64x512xf32>
    %dot_general3A_87 = tpu.matmul %convert_element_type3A_79, %convert_element_type3A_85, %dot_general3A_86 {dimension_numbers = #tpu.dot_dimension_numbers<[1], [0], [0], [1], [0, 0, 1, 1], [], []>, transpose_lhs_hint = false} : vector<64x768xbf16>, vector<768x512xbf16>, vector<64x512xf32> -> vector<64x512xf32>
    %get3A_88 = arith.constant 2 : index
    %get3A_89 = arith.constant 0 : index
    %get3A_90 = arith.constant 0 : index
    %get3A_91 = vector.load %arg3[%get3A_88, %get3A_89, %get3A_90] : memref<4x1x512xf32, #tpu.memory_space<vmem>>, vector<1x1x512xf32>
    %get3A_92 = vector.shape_cast %get3A_91 : vector<1x1x512xf32> to vector<1x512xf32>
    %add3A_93 = vector.broadcast %get3A_92 : vector<1x512xf32> to vector<64x512xf32>
    %add3A_94 = arith.addf %dot_general3A_87, %add3A_93 : vector<64x512xf32>
    %max3A_95 = arith.constant 0.000000e+00 : f32
    %max3A_96 = vector.broadcast %max3A_95 : f32 to vector<64x512xf32>
    %max3A_97 = arith.maximumf %add3A_94, %max3A_96 : vector<64x512xf32>
    %convert_element_type3A_98 = arith.truncf %max3A_97 : vector<64x512xf32> to vector<64x512xbf16>
    %get3A_99 = arith.constant 2 : index
    %get3A_100 = arith.constant 0 : index
    %get3A_101 = arith.constant 0 : index
    %get3A_102 = vector.load %arg4[%get3A_99, %get3A_100, %get3A_101] : memref<4x512x768xf32, #tpu.memory_space<vmem>>, vector<1x512x768xf32>
    %get3A_103 = vector.shape_cast %get3A_102 : vector<1x512x768xf32> to vector<512x768xf32>
    %convert_element_type3A_104 = arith.truncf %get3A_103 : vector<512x768xf32> to vector<512x768xbf16>
    %dot_general3A_105 = arith.constant dense<0.000000e+00> : vector<64x768xf32>
    %dot_general3A_106 = tpu.matmul %convert_element_type3A_98, %convert_element_type3A_104, %dot_general3A_105 {dimension_numbers = #tpu.dot_dimension_numbers<[1], [0], [0], [1], [0, 0, 1, 1], [], []>, transpose_lhs_hint = false} : vector<64x512xbf16>, vector<512x768xbf16>, vector<64x768xf32> -> vector<64x768xf32>
    %get3A_107 = arith.constant 2 : index
    %get3A_108 = arith.constant 0 : index
    %get3A_109 = arith.constant 0 : index
    %get3A_110 = vector.load %arg5[%get3A_107, %get3A_108, %get3A_109] : memref<4x1x768xf32, #tpu.memory_space<vmem>>, vector<1x1x768xf32>
    %get3A_111 = vector.shape_cast %get3A_110 : vector<1x1x768xf32> to vector<1x768xf32>
    %add3A_112 = vector.broadcast %get3A_111 : vector<1x768xf32> to vector<64x768xf32>
    %add3A_113 = arith.addf %dot_general3A_106, %add3A_112 : vector<64x768xf32>
    %swap3A_114 = arith.constant 128 : index
    %swap3A_115 = arith.constant 0 : index
    %swap3A_116 = vector.load %arg6[%swap3A_114, %swap3A_115] : memref<256x768xf32, #tpu.memory_space<vmem>>, vector<64x768xf32>
    tpu.vector_store %arg6[%swap3A_114, %swap3A_115], %add3A_113 {strides = array<i32>} : memref<256x768xf32, #tpu.memory_space<vmem>>, vector<64x768xf32>,
    %get3A_117 = arith.constant 192 : index
    %get3A_118 = arith.constant 0 : index
    %get3A_119 = vector.load %arg1[%get3A_117, %get3A_118] : memref<256x768xf32, #tpu.memory_space<vmem>>, vector<64x768xf32>
    %convert_element_type3A_120 = arith.truncf %get3A_119 : vector<64x768xf32> to vector<64x768xbf16>
    %get3A_121 = arith.constant 3 : index
    %get3A_122 = arith.constant 0 : index
    %get3A_123 = arith.constant 0 : index
    %get3A_124 = vector.load %arg2[%get3A_121, %get3A_122, %get3A_123] : memref<4x768x512xf32, #tpu.memory_space<vmem>>, vector<1x768x512xf32>
    %get3A_125 = vector.shape_cast %get3A_124 : vector<1x768x512xf32> to vector<768x512xf32>
    %convert_element_type3A_126 = arith.truncf %get3A_125 : vector<768x512xf32> to vector<768x512xbf16>
    %dot_general3A_127 = arith.constant dense<0.000000e+00> : vector<64x512xf32>
    %dot_general3A_128 = tpu.matmul %convert_element_type3A_120, %convert_element_type3A_126, %dot_general3A_127 {dimension_numbers = #tpu.dot_dimension_numbers<[1], [0], [0], [1], [0, 0, 1, 1], [], []>, transpose_lhs_hint = false} : vector<64x768xbf16>, vector<768x512xbf16>, vector<64x512xf32> -> vector<64x512xf32>
    %get3A_129 = arith.constant 3 : index
    %get3A_130 = arith.constant 0 : index
    %get3A_131 = arith.constant 0 : index
    %get3A_132 = vector.load %arg3[%get3A_129, %get3A_130, %get3A_131] : memref<4x1x512xf32, #tpu.memory_space<vmem>>, vector<1x1x512xf32>
    %get3A_133 = vector.shape_cast %get3A_132 : vector<1x1x512xf32> to vector<1x512xf32>
    %add3A_134 = vector.broadcast %get3A_133 : vector<1x512xf32> to vector<64x512xf32>
    %add3A_135 = arith.addf %dot_general3A_128, %add3A_134 : vector<64x512xf32>
    %max3A_136 = arith.constant 0.000000e+00 : f32
    %max3A_137 = vector.broadcast %max3A_136 : f32 to vector<64x512xf32>
    %max3A_138 = arith.maximumf %add3A_135, %max3A_137 : vector<64x512xf32>
    %convert_element_type3A_139 = arith.truncf %max3A_138 : vector<64x512xf32> to vector<64x512xbf16>
    %get3A_140 = arith.constant 3 : index
    %get3A_141 = arith.constant 0 : index
    %get3A_142 = arith.constant 0 : index
    %get3A_143 = vector.load %arg4[%get3A_140, %get3A_141, %get3A_142] : memref<4x512x768xf32, #tpu.memory_space<vmem>>, vector<1x512x768xf32>
    %get3A_144 = vector.shape_cast %get3A_143 : vector<1x512x768xf32> to vector<512x768xf32>
    %convert_element_type3A_145 = arith.truncf %get3A_144 : vector<512x768xf32> to vector<512x768xbf16>
    %dot_general3A_146 = arith.constant dense<0.000000e+00> : vector<64x768xf32>
    %dot_general3A_147 = tpu.matmul %convert_element_type3A_139, %convert_element_type3A_145, %dot_general3A_146 {dimension_numbers = #tpu.dot_dimension_numbers<[1], [0], [0], [1], [0, 0, 1, 1], [], []>, transpose_lhs_hint = false} : vector<64x512xbf16>, vector<512x768xbf16>, vector<64x768xf32> -> vector<64x768xf32>
    %get3A_148 = arith.constant 3 : index
    %get3A_149 = arith.constant 0 : index
    %get3A_150 = arith.constant 0 : index
    %get3A_151 = vector.load %arg5[%get3A_148, %get3A_149, %get3A_150] : memref<4x1x768xf32, #tpu.memory_space<vmem>>, vector<1x1x768xf32>
    %get3A_152 = vector.shape_cast %get3A_151 : vector<1x1x768xf32> to vector<1x768xf32>
    %add3A_153 = vector.broadcast %get3A_152 : vector<1x768xf32> to vector<64x768xf32>
    %add3A_154 = arith.addf %dot_general3A_147, %add3A_153 : vector<64x768xf32>
    %swap3A_155 = arith.constant 192 : index
    %swap3A_156 = arith.constant 0 : index
    %swap3A_157 = vector.load %arg6[%swap3A_155, %swap3A_156] : memref<256x768xf32, #tpu.memory_space<vmem>>, vector<64x768xf32>
    tpu.vector_store %arg6[%swap3A_155, %swap3A_156], %add3A_154 {strides = array<i32>} : memref<256x768xf32, #tpu.memory_space<vmem>>, vector<64x768xf32>,
    return
  }
  func.func @transform_0(%arg0: i32) -> (i32, i32) {
    %c0_i32 = arith.constant 0 : i32
    %c0_i32_0 = arith.constant 0 : i32
    return %arg0, %c0_i32 : i32, i32
  }
  func.func @transform_1(%arg0: i32) -> (i32, i32, i32) {
    %c0_i32 = arith.constant 0 : i32
    %c0_i32_0 = arith.constant 0 : i32
    %c0_i32_1 = arith.constant 0 : i32
    return %arg0, %c0_i32, %c0_i32_0 : i32, i32, i32
  }
  func.func @transform_2(%arg0: i32) -> (i32, i32, i32) {
    %c0_i32 = arith.constant 0 : i32
    %c0_i32_0 = arith.constant 0 : i32
    %c0_i32_1 = arith.constant 0 : i32
    return %arg0, %c0_i32, %c0_i32_0 : i32, i32, i32
  }
  func.func @transform_3(%arg0: i32) -> (i32, i32, i32) {
    %c0_i32 = arith.constant 0 : i32
    %c0_i32_0 = arith.constant 0 : i32
    %c0_i32_1 = arith.constant 0 : i32
    return %arg0, %c0_i32, %c0_i32_0 : i32, i32, i32
  }
  func.func @transform_4(%arg0: i32) -> (i32, i32, i32) {
    %c0_i32 = arith.constant 0 : i32
    %c0_i32_0 = arith.constant 0 : i32
    %c0_i32_1 = arith.constant 0 : i32
    return %arg0, %c0_i32, %c0_i32_0 : i32, i32, i32
  }
  func.func @transform_5(%arg0: i32) -> (i32, i32) {
    %c0_i32 = arith.constant 0 : i32
    %c0_i32_0 = arith.constant 0 : i32
    return %arg0, %c0_i32 : i32, i32
  }
}

module attributes {stable_mosaic.version = 14 : i64} {
  func.func @_out_kernel(%arg0: memref<2048x768xf32, #tpu.memory_space<vmem>>, %arg1: memref<2048x768xf32, #tpu.memory_space<vmem>>, %arg2: memref<2048x1xf32, #tpu.memory_space<vmem>>, %arg3: memref<1x768xf32, #tpu.memory_space<vmem>>, %arg4: memref<1x768xf32, #tpu.memory_space<vmem>>, %arg5: memref<2048x768xf32, #tpu.memory_space<vmem>>) attributes {dimension_semantics = [], scalar_prefetch = 0 : i64, scratch_operands = 0 : i64, tpu.core_type = #tpu.core_type<tc>} {
    %get3A = arith.constant 0 : index
    %get3A_0 = arith.constant 0 : index
    %get3A_1 = vector.load %arg0[%get3A, %get3A_0] : memref<2048x768xf32, #tpu.memory_space<vmem>>, vector<2048x768xf32>
    %get3A_2 = arith.constant 0 : index
    %get3A_3 = arith.constant 0 : index
    %get3A_4 = vector.load %arg1[%get3A_2, %get3A_3] : memref<2048x768xf32, #tpu.memory_space<vmem>>, vector<2048x768xf32>
    %get3A_5 = arith.constant 0 : index
    %get3A_6 = arith.constant 0 : index
    %get3A_7 = vector.load %arg2[%get3A_5, %get3A_6] : memref<2048x1xf32, #tpu.memory_space<vmem>>, vector<2048x1xf32>
    %mul3A = vector.broadcast %get3A_7 : vector<2048x1xf32> to vector<2048x768xf32>
    %mul3A_8 = arith.mulf %get3A_4, %mul3A : vector<2048x768xf32>
    %add3A = arith.addf %get3A_1, %mul3A_8 : vector<2048x768xf32>
    %reduce_sum3A = arith.constant dense<0.000000e+00> : vector<2048xf32>
    %reduce_sum3A_9 = vector.multi_reduction <add>, %add3A, %reduce_sum3A [1] : vector<2048x768xf32> to vector<2048xf32>
    %broadcast_in_dim3A = vector.shape_cast %reduce_sum3A_9 : vector<2048xf32> to vector<2048x1xf32>
    %div3A = arith.constant 7.680000e+02 : f32
    %div3A_10 = vector.broadcast %div3A : f32 to vector<2048x1xf32>
    %div3A_11 = arith.divf %broadcast_in_dim3A, %div3A_10 : vector<2048x1xf32>
    %sub3A = vector.broadcast %div3A_11 : vector<2048x1xf32> to vector<2048x768xf32>
    %sub3A_12 = arith.subf %add3A, %sub3A : vector<2048x768xf32>
    %integer_pow3A = arith.mulf %sub3A_12, %sub3A_12 : vector<2048x768xf32>
    %reduce_sum3A_13 = arith.constant dense<0.000000e+00> : vector<2048xf32>
    %reduce_sum3A_14 = vector.multi_reduction <add>, %integer_pow3A, %reduce_sum3A_13 [1] : vector<2048x768xf32> to vector<2048xf32>
    %broadcast_in_dim3A_15 = vector.shape_cast %reduce_sum3A_14 : vector<2048xf32> to vector<2048x1xf32>
    %div3A_16 = arith.constant 7.680000e+02 : f32
    %div3A_17 = vector.broadcast %div3A_16 : f32 to vector<2048x1xf32>
    %div3A_18 = arith.divf %broadcast_in_dim3A_15, %div3A_17 : vector<2048x1xf32>
    %sub3A_19 = vector.broadcast %div3A_11 : vector<2048x1xf32> to vector<2048x768xf32>
    %sub3A_20 = arith.subf %add3A, %sub3A_19 : vector<2048x768xf32>
    %add3A_21 = arith.constant 9.99999974E-6 : f32
    %add3A_22 = vector.broadcast %add3A_21 : f32 to vector<2048x1xf32>
    %add3A_23 = arith.addf %div3A_18, %add3A_22 : vector<2048x1xf32>
    %sqrt3A = math.sqrt %add3A_23 : vector<2048x1xf32>
    %div3A_24 = vector.broadcast %sqrt3A : vector<2048x1xf32> to vector<2048x768xf32>
    %div3A_25 = arith.divf %sub3A_20, %div3A_24 : vector<2048x768xf32>
    %get3A_26 = arith.constant 0 : index
    %get3A_27 = arith.constant 0 : index
    %get3A_28 = vector.load %arg3[%get3A_26, %get3A_27] : memref<1x768xf32, #tpu.memory_space<vmem>>, vector<1x768xf32>
    %mul3A_29 = vector.broadcast %get3A_28 : vector<1x768xf32> to vector<2048x768xf32>
    %mul3A_30 = arith.mulf %div3A_25, %mul3A_29 : vector<2048x768xf32>
    %get3A_31 = arith.constant 0 : index
    %get3A_32 = arith.constant 0 : index
    %get3A_33 = vector.load %arg4[%get3A_31, %get3A_32] : memref<1x768xf32, #tpu.memory_space<vmem>>, vector<1x768xf32>
    %add3A_34 = vector.broadcast %get3A_33 : vector<1x768xf32> to vector<2048x768xf32>
    %add3A_35 = arith.addf %mul3A_30, %add3A_34 : vector<2048x768xf32>
    %swap3A = arith.constant 0 : index
    %swap3A_36 = arith.constant 0 : index
    %swap3A_37 = vector.load %arg5[%swap3A, %swap3A_36] : memref<2048x768xf32, #tpu.memory_space<vmem>>, vector<2048x768xf32>
    tpu.vector_store %arg5[%swap3A, %swap3A_36], %add3A_35 {strides = array<i32>} : memref<2048x768xf32, #tpu.memory_space<vmem>>, vector<2048x768xf32>,
    return
  }
}

</mosaic_0001>

<sc_bundles>
// kernel: kernel.12.cloned.1.call-start
scs
__scs_entry_jumppad:
0x0: {  	(pc) =	sbr.rel $0x88, $3  }
0x1: {  	(tag) =	ssettag $0x0;
	lr =	simm.s32 $0x1  }
0x2: {  	[smem:$0x3F93] =	sst lr;
	_ =	strace $0xD0000000  }
0x3: {  	_ = 	snop  }
0x4: {  	_ = 	snop  }
0x5: {  	_ = 	snop  }
0x6: {  	_ = 	snop  }
0x7: {  	_ = 	snop  }
__scs_overlays_trampoline_lowered:
0x8: {  	[smem:$0x3FA2] =	sst s0  }
0x9: {  	[smem:$0x3FA3] =	sst s1  }
0xa: {  	[smem:$0x3FA4] =	sst s2  }
0xb: {  	[smem:$0x3FA5] =	sst s3  }
0xc: {  	[smem:$0x3FA6] =	sst s4  }
0xd: {  	[smem:$0x3FA7] =	sst s5  }
0xe: {  	[smem:$0x3FA8] =	sst s6  }
0xf: {  	[smem:$0x3FA9] =	sst s7  }
0x10: {  	[smem:$0x3FAA] =	sst s8  }
0x11: {  	[smem:$0x3FAB] =	sst s9;
	s0 =	simm.s32 @!p0 $0x0  }
0x12: {  	s1 =	sld [smem:$0x3F91];
	s0 =	simm.s32 @p0 $0x1  }
0x13: {  	[smem:$0x3FAC] =	sst s0;
	s0 =	simm.s32 @!p1 $0x0  }
0x14: {  	s2 =	sld [smem:$0x3F90];
	s0 =	simm.s32 @p1 $0x1  }
0x15: {  	[smem:$0x3FAD] =	sst s0;
	s0 =	simm.s32 @!p2 $0x0  }
0x16: {  	s3 =	sld [smem:$0x3FDB];
	s0 =	simm.s32 @p2 $0x1  }
0x17: {  	s4 =	simm.s32 $0x1BF5;
	[smem:$0x3FAF] =	sst s0  }
0x18: {  	s0 =	sld [smem:$0x3F92];
	_ =	swait.ge [sflag:s4], $0x0  }
0x19: {  	s7 =	sld [smem:$0x3F93]  }
0x1a: {  	s8 =	sadd.s32 $0xFFFFE003, lr  }
0x1b: {  	s9 =	sadd.s32 $0xFFFFFEF7, lr;
	s5 =	simm.s32 $0xFFFFFFFF;
	p2 =	slt.u32 s8, $0xFFFFF086  }
0x1c: {  	p1 =	slt.u32 s9, $0xF7A;
	s5 =	simm.s32 @!p2 $0x0  }
0x1d: {  	s5 =	simm.s32 @p1 $0x1;
	p0 =	seq.s32 s7, s2  }
0x1e: {  	s7 =	smul.u32 @!p0 $0xF7A, s2;
	p2 =	seq.s32 @!p0 s5, $0x0  }
0x1f: {  	s9 =	smul.u32 $0xF7A, s1;
	s8 =	simm.s32 @!p0 $0x1BF5;
	p2 =	por !p2, p0  }
0x20: {  	[sflag:s8] =	ssyncset.s32 @!p0 $0xFFFFF086;
	s6 =	sadd.s32 @!p0 s3, s7;
	s7 =	simm.s32 @!p0 $0x108  }
0x21: {  	s3 =	sadd.s32 s3, s9;
	s6 =	sadd.s32 @!p0 $0x88, s6;
	s7 =	simm.s32 @p2 $0x1082  }
0x22: {  	[simem:s7], [sflag:s8] =	dma.local @!p0 [hbm:s6], $0xF7A  }
0x23: {  	s9 =	sor.u32 $0xD0000000, s2;
	s6 =	simm.s32 $0x108;
	_ =	swait.ge @!p0 [sflag:s8], $0x0  }
0x24: {  	s3 =	sadd.s32 $0x88, s3;
	s6 =	simm.s32 @!p1 $0x1082;
	[sflag:s4] =	ssyncset.s32 $0xFFFFF086  }
0x25: {  	[simem:s6], [sflag:s4] =	dma.local [hbm:s3], $0xF7A  }
0x26: {  	[smem:$0x3F93] =	sst s1;
	(tag) =	ssettag s2;
	_ =	strace s9  }
0x27: {  	s1 =	sld [smem:$0x3FA3]  }
0x28: {  	s2 =	sld [smem:$0x3FA4]  }
0x29: {  	s4 =	sld [smem:$0x3FA6]  }
0x2a: {  	p0 =	seq.s32 s5, $0x0;
	s5 =	sld [smem:$0x3FA7]  }
0x2b: {  	s6 =	sld [smem:$0x3FA8]  }
0x2c: {  	s7 =	sld [smem:$0x3FA9]  }
0x2d: {  	s3 =	simm.s32 $0x108;
	s8 =	sld [smem:$0x3FAA]  }
0x2e: {  	s3 =	simm.s32 @!p0 $0x1082;
	s9 =	sld [smem:$0x3FAB]  }
0x2f: {  	lr =	sadd.s32 s0, s3;
	s0 =	sld [smem:$0x3FA2]  }
0x30: {  	s3 =	sld [smem:$0x3FA5]  }
0x31: {  	[smem:$0x3FAE] =	sst s10  }
0x32: {  	s10 =	sld [smem:$0x3FAC];
	_ =	sdelay $0x3  }
0x33: {  	p0 =	seq.s32 s10, $0x1;
	s10 =	sld [smem:$0x3FAE];
	_ =	sdelay $0x3  }
0x34: {  	[smem:$0x3FAE] =	sst s10  }
0x35: {  	s10 =	sld [smem:$0x3FAD];
	_ =	sdelay $0x3  }
0x36: {  	p1 =	seq.s32 s10, $0x1;
	s10 =	sld [smem:$0x3FAE];
	_ =	sdelay $0x3  }
0x37: {  	[smem:$0x3FAE] =	sst s10  }
0x38: {  	s10 =	sld [smem:$0x3FAF]  }
0x39: {  	_ = 	snop;
	(pc) =	sbr.ind lr, $3  }
0x3a: {  	_ = 	snop  }
0x3b: {  	_ = 	snop  }
0x3c: {  	p2 =	seq.s32 s10, $0x1;
	s10 =	sld [smem:$0x3FAE]  }
0x3d: {  	_ =	shalt  }
0x3e: {  	_ =	shalt  }
0x3f: {  	_ =	shalt  }
0x40: {  	_ =	shalt  }
0x41: {  	_ =	shalt  }
0x42: {  	_ =	shalt  }
0x43: {  	_ =	shalt  }
0x44: {  	_ =	shalt  }
0x45: {  	_ =	shalt  }
0x46: {  	_ =	shalt  }
0x47: {  	_ =	shalt  }
0x48: {  	_ =	shalt  }
0x49: {  	_ =	shalt  }
0x4a: {  	_ =	shalt  }
0x4b: {  	_ =	shalt  }
0x4c: {  	_ =	shalt  }
0x4d: {  	_ =	shalt  }
0x4e: {  	_ =	shalt  }
0x4f: {  	_ =	shalt  }
0x50: {  	_ =	shalt  }
0x51: {  	_ =	shalt  }
0x52: {  	_ =	shalt  }
0x53: {  	_ =	shalt  }
0x54: {  	_ =	shalt  }
0x55: {  	_ =	shalt  }
0x56: {  	_ =	shalt  }
0x57: {  	_ =	shalt  }
0x58: {  	_ =	shalt  }
0x59: {  	_ =	shalt  }
0x5a: {  	_ =	shalt  }
0x5b: {  	_ =	shalt  }
0x5c: {  	_ =	shalt  }
0x5d: {  	_ =	shalt  }
0x5e: {  	_ =	shalt  }
0x5f: {  	_ =	shalt  }
0x60: {  	_ =	shalt  }
0x61: {  	_ =	shalt  }
0x62: {  	_ =	shalt  }
0x63: {  	_ =	shalt  }
0x64: {  	_ =	shalt  }
0x65: {  	_ =	shalt  }
0x66: {  	_ =	shalt  }
0x67: {  	_ =	shalt  }
0x68: {  	_ =	shalt  }
0x69: {  	_ =	shalt  }
0x6a: {  	_ =	shalt  }
0x6b: {  	_ =	shalt  }
0x6c: {  	_ =	shalt  }
0x6d: {  	_ =	shalt  }
0x6e: {  	_ =	shalt  }
0x6f: {  	_ =	shalt  }
0x70: {  	_ =	shalt  }
0x71: {  	_ =	shalt  }
0x72: {  	_ =	shalt  }
0x73: {  	_ =	shalt  }
0x74: {  	_ =	shalt  }
0x75: {  	_ =	shalt  }
0x76: {  	_ =	shalt  }
0x77: {  	_ =	shalt  }
0x78: {  	_ =	shalt  }
0x79: {  	_ =	shalt  }
0x7a: {  	_ =	shalt  }
0x7b: {  	_ =	shalt  }
0x7c: {  	_ =	shalt  }
0x7d: {  	_ =	shalt  }
0x7e: {  	_ =	shalt  }
0x7f: {  	_ =	shalt  }
0x80: {  	_ =	shalt  }
0x81: {  	_ =	shalt  }
0x82: {  	_ =	shalt  }
0x83: {  	_ =	shalt  }
0x84: {  	_ =	shalt  }
0x85: {  	_ =	shalt  }
0x86: {  	_ =	shalt  }
0x87: {  	_ =	shalt  }
.Lfunc_end0:
.L_simem_size_0:
called_computation.1_lowered:
.L_overlay_start_0:
0x88: {  	s2 =	sld [smem:$0x3FD9]  }
0x89: {  	s3 =	sld [smem:$0x3FFE];
	_ =	sdelay $0x1  }
0x8a: {  	s1 =	srdreg.scid  }
0x8b: {  	s0 =	sand.u32 $0x1, s1  }
0x8c: {  	s17 =	sshll.u32 s0, $0xA;
	s2 =	sadd.s32 s3, s2  }
0x8d: {  	s2 =	sadd.s32 s2, s17  }
0x8e: {  	[smem:$0x3FBA] =	sst s2  }
0x8f: {  	_ = 	snop  }
0x90: {  	s2 =	sld [smem:$0x3FD0];
	(tm) =	ssettm $0x1  }
0x91: {  	s18 =	sld [smem:$0x3FFB];
	_ =	sdelay $0x3  }
0x92: {  	_ =	strace s18  }
0x93: {  	s3 =	sld [smem:$0x3FFC];
	_ =	sdelay $0x3  }
0x94: {  	_ =	strace s3  }
0x95: {  	s3 =	sld [smem:$0x3FFD];
	_ =	sdelay $0x3  }
0x96: {  	_ =	strace s3  }
0x97: {  	_ =	strace $0x8FFFFFFF  }
0x98: {  	s19 =	sld [smem:$0x3FDB];
	_ =	sdelay $0x1  }
0x99: {  	s4 =	simm.s32 $_scs_section_size  }
0x9a: {  	s5 =	simm.s32 $_size__tile_overlayer_lowered;
	s6 =	simm.s32 $_tile_overlayer_lowered  }
0x9b: {  	s22 =	simm.s32 $0x1BFF;
	s21 =	sshll.u32 s6, $0x1;
	s3 =	sadd.s32 s4, s19  }
0x9c: {  	s7 =	simm.s32 $0x0;
	s20 =	sshll.u32 s5, $0x1;
	s5 =	sadd.s32 s21, s3  }
0x9d: {  	[timem:s7], [sflag:s22] =	dma.local [hbm:s5], s20  }
0x9e: {  	_ =	swait.ge [sflag:s22], s20  }
0x9f: {  	s4 =	ssub.s32 $0x0, s20;
	[sflag:s22] =	ssyncset.done $0x0  }
0xa0: {  	[sflag:s22] =	ssyncadd.s32 s4;
	_ =	sdelay $0x1  }
0xa1: {  	s23 =	simm.s32 $0x1B8B  }
0xa2: {  	_ =	swait.ge [sflag:s23], $0x1  }
0xa3: {  	[sflag:s23] =	ssyncset.done $0x0  }
0xa4: {  	s25 =	simm.s32 $0x1B8E;
	s24 =	sld [smem:$0x3FFE];
	[sflag:s23] =	ssyncadd.s32 $0xFFFFFFFF  }
0xa5: {  	s26 =	simm.s32 $execute0_lowered;
	[smem:$0x3FD2] =	sst s25  }
0xa6: {  	s5 =	sshll.u32 s26, $0x1;
	_ =	strace $0x8000004F;
	[dreg:$0x1] =	wrdreg $0xFFFFFFFF  }
0xa7: {  	s28 =	simm.s32 $_size_execute0_lowered;
	s3 =	sadd.s32 s3, s5;
	[dreg:$0x0] =	wrdreg $0x0  }
0xa8: {  	s5 =	sshll.u32 s28, $0x1;
	[dreg:$0x2] =	wrdreg s3  }
0xa9: {  	[dreg:$0x3] =	wrdreg s5  }
0xaa: {  	[dreg:$0x4] =	wrdreg $0xC0  }
0xab: {  	_ =	task [dreg:s7], $0x5FFFF  }
0xac: {  	[dreg:$0x1] =	wrdreg $0xFFFFFFFF  }
0xad: {  	[dreg:$0x0] =	wrdreg $0x60  }
0xae: {  	[dreg:$0x2] =	wrdreg s24  }
0xaf: {  	[dreg:$0x3] =	wrdreg s2  }
0xb0: {  	[dreg:$0x4] =	wrdreg $0x9  }
0xb1: {  	_ =	task.clear_ibuf [dreg:s7], $0x5FFFF;
	_ =	strace $0x9000004F  }
0xb2: {  	s29 =	simm.s32 $0x9;
	_ =	strace $0x80000058  }
0xb3: {  	_ =	swait.ge [sflag:s29], $0x1  }
0xb4: {  	[sflag:s29] =	ssyncadd.s32 $0xFFFFFFFF  }
0xb5: {  	_ =	strace $0x90000058  }
0xb6: {  	_ =	sfence  }
0xb7: {  	s30 =	sld [smem:$0x0];
	_ =	sdelay $0x2  }
0xb8: {  	s31 =	sshll.u32 s1, $0xD;
	s1 =	sshrl.u32 s1, $0x2  }
0xb9: {  	s3 =	sand.u32 $0x4000, s31;
	s1 =	sadd.s32 s1, s30  }
0xba: {  	s0 =	sor.u32 s3, s0;
	s1 =	sshll.u32 s1, $0x11  }
0xbb: {  	s0 =	sor.u32 s1, s0  }
0xbc: {  	s0 =	sadd.s32 $0x8F2B, s0  }
0xbd: {  	[sflag:s0] =	ssyncadd.remote.s32 $0x1  }
0xbe: {  	_ =	sfence.sel $0xFFFF  }
0xbf: {  	[dreg:$0x0] =	wrdreg $0xFFFFFFFF;
	(pc) =	sbr.abs _section_cstart, $3  }
0xc0: {  	[dreg:$0x1] =	wrdreg $0xFFFFFFFF  }
0xc1: {  	_ =	task.clear_ibuf [dreg:s7], $0x2FFFF;
	_ =	strace $0x9FFFFFFF  }
0xc2: {  	(tm) =	ssettm $0x7FFFFFFF  }
0xc3: {  	_ =	shalt  }
tec
execute0_lowered:
.L_overlay_start_1:
0x0: {  	(tag) =	ssettag $0x1  }
0x1: {  	s0 =	srdreg.scid  }
0x2: {  	s18 =	sand.u32 $0x1, s0  }
0x3: {  	s0 =	stileid.u32;
	s1 =	sshll.u32 s18, $0x4  }
0x4: {  	s7 =	rddreg [dreg:$0x0];
	s11 =	sor.u32 s0, s1  }
0x5: {  	s10 =	rddreg [dreg:$0x1];
	s2 =	simm.s32 $0x0;
	s3 =	smul.u32 $0x30, s11  }
0x6: {  	[smem:$0x7FF] =	sst s2  }
0x7: {  	s1 =	rddreg [dreg:$0x2];
	_ =	strace $0x80000050;
	s12 =	sadd.s32 s3, s7  }
0x8: {  	_ =	strace $0x80000051;
	s3 =	sadd.s32 $0x63C00, s12  }
0x9: {  	[tilespmem:s2], [sflag:$0x1] =	stream.linear.gather [hbm4b:s3+s2], $0x80, $0x200038;
	[tilespmem:$0x8100] =	vst v63  }
0xa: {  	_ =	strace $0x90000051  }
0xb: {  	s5 =	simm.s32 $0x80;
	s4 =	sadd.s32 $0x63C10, s12;
	_ =	strace $0x80000052  }
0xc: {  	[tilespmem:s5], [sflag:$0x2] =	stream.linear.gather [hbm4b:s4+s2], $0x80, $0x200038;
	[tilespmem:$0x8100] =	vst v63  }
0xd: {  	_ =	strace $0x90000052  }
0xe: {  	s6 =	simm.s32 $0x1;
	_ =	strace $0x80000053  }
0xf: {  	_ =	swait.ge [sflag:s6], $0x80  }
0x10: {  	[sflag:s6] =	ssyncset.done $0x0  }
0x11: {  	[sflag:s6] =	ssyncadd.s32 $0xFFFFFF80  }
0x12: {  	s8 =	simm.s32 $0x100;
	_ =	strace $0x90000053  }
0x13: {  	s9 =	simm.s32 $0x5;
	s7 =	sadd.s32 $0x1E00, s7;
	_ =	strace $0x80000054  }
0x14: {  	[tilespmem:s8], [sflag:$0x5] =	stream.indirect.gather [hbm4b:s7+s5], $0x80, s2, s5, $0x2000b8;
	[tilespmem:$0x8100] =	vst v63  }
0x15: {  	_ =	swait.ge [sflag:s9], $0x4000  }
0x16: {  	[sflag:s9] =	ssyncset.done $0x0  }
0x17: {  	s11 =	smul.u32 $0x1800, s11;
	[sflag:s9] =	ssyncadd.s32 $0xFFFFC000  }
0x18: {  	_ =	strace $0x90000054  }
0x19: {  	s10 =	sadd.s32 s10, s11;
	_ =	strace $0x80000055  }
0x1a: {  	[hbm4b:s10+s2] =	stream.linear.scatter [tilespmem:s8], [sflag:$0x3], $0x4000, $0x200038;
	[tilespmem:$0x8100] =	vst v63  }
0x1b: {  	_ =	strace $0x90000055  }
0x1c: {  	s11 =	sadd.s32 $0x63C20, s12;
	_ =	strace $0x80000052  }
0x1d: {  	[tilespmem:s2], [sflag:$0x1] =	stream.linear.gather [hbm4b:s11+s2], $0x80, $0x200038;
	[tilespmem:$0x8100] =	vst v63  }
0x1e: {  	_ =	strace $0x90000052  }
0x1f: {  	s12 =	simm.s32 $0x2;
	_ =	strace $0x80000053  }
0x20: {  	_ =	swait.ge [sflag:s12], $0x80  }
0x21: {  	[sflag:s12] =	ssyncset.done $0x0  }
0x22: {  	[sflag:s12] =	ssyncadd.s32 $0xFFFFFF80  }
0x23: {  	_ =	strace $0x90000053  }
0x24: {  	s13 =	simm.s32 $0x4100;
	_ =	strace $0x80000054  }
0x25: {  	[tilespmem:s13], [sflag:$0x5] =	stream.indirect.gather [hbm4b:s7+s5], $0x80, s5, s5, $0x2000b8;
	[tilespmem:$0x8100] =	vst v63  }
0x26: {  	_ =	swait.ge [sflag:s9], $0x4000  }
0x27: {  	[sflag:s9] =	ssyncset.done $0x0  }
0x28: {  	[sflag:s9] =	ssyncadd.s32 $0xFFFFC000  }
0x29: {  	_ =	strace $0x90000054  }
0x2a: {  	s14 =	sadd.s32 $0x800, s10;
	_ =	strace $0x80000055  }
0x2b: {  	[hbm4b:s14+s2] =	stream.linear.scatter [tilespmem:s13], [sflag:$0x4], $0x4000, $0x200038;
	[tilespmem:$0x8100] =	vst v63  }
0x2c: {  	_ =	strace $0x90000055  }
0x2d: {  	s15 =	simm.s32 $0x3;
	_ =	strace $0x80000056  }
0x2e: {  	_ =	swait.ge [sflag:s15], $0x4000  }
0x2f: {  	[sflag:s15] =	ssyncset.done $0x0  }
0x30: {  	[sflag:s15] =	ssyncadd.s32 $0xFFFFC000  }
0x31: {  	_ =	strace $0x90000056  }
0x32: {  	_ =	strace $0x80000053  }
0x33: {  	_ =	swait.ge [sflag:s6], $0x80  }
0x34: {  	[sflag:s6] =	ssyncset.done $0x0  }
0x35: {  	[sflag:s6] =	ssyncadd.s32 $0xFFFFFF80  }
0x36: {  	_ =	strace $0x90000053  }
0x37: {  	_ =	strace $0x80000054  }
0x38: {  	[tilespmem:s8], [sflag:$0x5] =	stream.indirect.gather [hbm4b:s7+s5], $0x80, s2, s5, $0x2000b8;
	[tilespmem:$0x8100] =	vst v63  }
0x39: {  	_ =	swait.ge [sflag:s9], $0x4000  }
0x3a: {  	[sflag:s9] =	ssyncset.done $0x0  }
0x3b: {  	[sflag:s9] =	ssyncadd.s32 $0xFFFFC000  }
0x3c: {  	_ =	strace $0x90000054  }
0x3d: {  	s16 =	sadd.s32 $0x1000, s10;
	_ =	strace $0x80000055  }
0x3e: {  	[hbm4b:s16+s2] =	stream.linear.scatter [tilespmem:s8], [sflag:$0x3], $0x4000, $0x200038;
	[tilespmem:$0x8100] =	vst v63  }
0x3f: {  	s18 =	ssub.s32 $0x2, s18;
	_ =	strace $0x90000055  }
0x40: {  	s17 =	simm.s32 $0x4;
	s19 =	sshrl.u32 s18, $0x1;
	_ =	strace $0x80000056  }
0x41: {  	s18 =	ssub.s32 s18, s19;
	_ =	swait.ge [sflag:s17], $0x4000  }
0x42: {  	s18 =	smax.u32 s18, $0x1;
	[sflag:s17] =	ssyncset.done $0x0  }
0x43: {  	p0 =	sne.s32 s18, $0x1;
	[sflag:s17] =	ssyncadd.s32 $0xFFFFC000  }
.Ltmp0:
0x44: {  	_ =	strace $0x90000056;
	(pc) =	sbr.rel @!p0 .LBB2_2-.Ltmp0, $4  }
0x45: {  	_ =	strace $0x80000057  }
0x46: {  	_ =	swait.ge [sflag:s15], $0x4000  }
0x47: {  	[sflag:s15] =	ssyncset.done $0x0  }
0x48: {  	s18 =	sadd.s32 $0xFFFFFFFF, s18;
	[sflag:s15] =	ssyncadd.s32 $0xFFFFC000  }
.LBB2_1:
0x49: {  	p0 =	sne.s32 s18, $0x1;
	s18 =	sadd.s32 $0xFFFFFFFF, s18;
	_ =	strace $0x90000057  }
0x4a: {  	_ =	strace $0x80000051  }
0x4b: {  	[tilespmem:s2], [sflag:$0x1] =	stream.linear.gather [hbm4b:s3+s2], $0x80, $0x200038;
	[tilespmem:$0x8100] =	vst v63  }
0x4c: {  	_ =	strace $0x90000051  }
0x4d: {  	_ =	strace $0x80000052  }
0x4e: {  	[tilespmem:s5], [sflag:$0x2] =	stream.linear.gather [hbm4b:s4+s2], $0x80, $0x200038;
	[tilespmem:$0x8100] =	vst v63  }
0x4f: {  	_ =	strace $0x90000052  }
0x50: {  	_ =	strace $0x80000053  }
0x51: {  	_ =	swait.ge [sflag:s6], $0x80  }
0x52: {  	[sflag:s6] =	ssyncset.done $0x0  }
0x53: {  	[sflag:s6] =	ssyncadd.s32 $0xFFFFFF80  }
0x54: {  	_ =	strace $0x90000053  }
0x55: {  	_ =	strace $0x80000054  }
0x56: {  	[tilespmem:s8], [sflag:$0x5] =	stream.indirect.gather [hbm4b:s7+s5], $0x80, s2, s5, $0x2000b8;
	[tilespmem:$0x8100] =	vst v63  }
0x57: {  	_ =	swait.ge [sflag:s9], $0x4000  }
0x58: {  	[sflag:s9] =	ssyncset.done $0x0  }
0x59: {  	[sflag:s9] =	ssyncadd.s32 $0xFFFFC000  }
0x5a: {  	_ =	strace $0x90000054  }
0x5b: {  	_ =	strace $0x80000055  }
0x5c: {  	[hbm4b:s10+s2] =	stream.linear.scatter [tilespmem:s8], [sflag:$0x3], $0x4000, $0x200038;
	[tilespmem:$0x8100] =	vst v63  }
0x5d: {  	_ =	strace $0x90000055  }
0x5e: {  	_ =	strace $0x80000052  }
0x5f: {  	[tilespmem:s2], [sflag:$0x1] =	stream.linear.gather [hbm4b:s11+s2], $0x80, $0x200038;
	[tilespmem:$0x8100] =	vst v63  }
0x60: {  	_ =	strace $0x90000052  }
0x61: {  	_ =	strace $0x80000053  }
0x62: {  	_ =	swait.ge [sflag:s12], $0x80  }
0x63: {  	[sflag:s12] =	ssyncset.done $0x0  }
0x64: {  	[sflag:s12] =	ssyncadd.s32 $0xFFFFFF80  }
0x65: {  	_ =	strace $0x90000053  }
0x66: {  	_ =	strace $0x80000054  }
0x67: {  	[tilespmem:s13], [sflag:$0x5] =	stream.indirect.gather [hbm4b:s7+s5], $0x80, s5, s5, $0x2000b8;
	[tilespmem:$0x8100] =	vst v63  }
0x68: {  	_ =	swait.ge [sflag:s9], $0x4000  }
0x69: {  	[sflag:s9] =	ssyncset.done $0x0  }
0x6a: {  	[sflag:s9] =	ssyncadd.s32 $0xFFFFC000  }
0x6b: {  	_ =	strace $0x90000054  }
0x6c: {  	_ =	strace $0x80000055  }
0x6d: {  	[hbm4b:s14+s2] =	stream.linear.scatter [tilespmem:s13], [sflag:$0x4], $0x4000, $0x200038;
	[tilespmem:$0x8100] =	vst v63  }
0x6e: {  	_ =	strace $0x90000055  }
0x6f: {  	_ =	strace $0x80000056  }
0x70: {  	_ =	swait.ge [sflag:s15], $0x4000  }
0x71: {  	[sflag:s15] =	ssyncset.done $0x0  }
0x72: {  	[sflag:s15] =	ssyncadd.s32 $0xFFFFC000  }
0x73: {  	_ =	strace $0x90000056  }
0x74: {  	_ =	strace $0x80000053  }
0x75: {  	_ =	swait.ge [sflag:s6], $0x80  }
0x76: {  	[sflag:s6] =	ssyncset.done $0x0  }
0x77: {  	[sflag:s6] =	ssyncadd.s32 $0xFFFFFF80  }
0x78: {  	_ =	strace $0x90000053  }
0x79: {  	_ =	strace $0x80000054  }
0x7a: {  	[tilespmem:s8], [sflag:$0x5] =	stream.indirect.gather [hbm4b:s7+s5], $0x80, s2, s5, $0x2000b8;
	[tilespmem:$0x8100] =	vst v63  }
0x7b: {  	_ =	swait.ge [sflag:s9], $0x4000  }
0x7c: {  	[sflag:s9] =	ssyncset.done $0x0  }
0x7d: {  	[sflag:s9] =	ssyncadd.s32 $0xFFFFC000  }
0x7e: {  	_ =	strace $0x90000054  }
0x7f: {  	_ =	strace $0x80000055  }
0x80: {  	[hbm4b:s16+s2] =	stream.linear.scatter [tilespmem:s8], [sflag:$0x3], $0x4000, $0x200038;
	[tilespmem:$0x8100] =	vst v63  }
0x81: {  	_ =	strace $0x90000055  }
0x82: {  	_ =	strace $0x80000056  }
0x83: {  	_ =	swait.ge [sflag:s17], $0x4000  }
0x84: {  	[sflag:s17] =	ssyncset.done $0x0  }
0x85: {  	[sflag:s17] =	ssyncadd.s32 $0xFFFFC000  }
.Ltmp1:
0x86: {  	_ =	strace $0x90000056;
	(pc) =	sbr.rel @p0 .LBB2_1-.Ltmp1, $4  }
0x87: {  	_ =	strace $0x80000057  }
0x88: {  	_ =	swait.ge [sflag:s15], $0x4000  }
0x89: {  	[sflag:s15] =	ssyncset.done $0x0  }
0x8a: {  	[sflag:s15] =	ssyncadd.s32 $0xFFFFC000  }
.LBB2_2:
0x8b: {  	_ =	strace $0x90000057  }
0x8c: {  	_ =	sfence.sel $0x180000  }
0x8d: {  	[bflag:$0x0] =	sbarrier.arrive $0xFFFF  }
0x8e: {  	p0 =	sne.s32 s0, $0x0;
	_ =	strace $0x90000050  }
0x8f: {  	s0 =	sadd.s32 @!p0 $0x100000, s1;
	[bflag:$0x2] =	sbarrier.arrive $0xFFFF  }
0x90: {  	[sflag:s0] =	ssyncadd.tile.s32 @!p0 $0x1;
	_ =	shalt  }
.Lfunc_end2:
_tile_overlayer_lowered:
.L_overlay_start_2:
0x91: {  	(tag) =	ssettag $0x2  }
0x92: {  	s0 =	rddreg [dreg:$0x0];
	s2 =	stileid.u32  }
0x93: {  	s1 =	rddreg [dreg:$0x1];
	p0 =	sne.s32 s2, $0x0  }
0x94: {  	s3 =	rddreg [dreg:$0x2];
	[bflag:$0x3] =	sbarrier.arrive $0xFFFF;
	s2 =	simm.s32 @!p0 $0x1C01  }
0x95: {  	[timem:s3], [sflag:s2] =	dma.local @!p0 [hbm:s0], s1  }
0x96: {  	s0 =	simm.s32 @!p0 $0x1  }
0x97: {  	_ =	swait.ge @!p0 [sflag:s0], s1  }
0x98: {  	s1 =	ssub.s32 @!p0 $0x0, s1;
	[sflag:s0] =	ssyncset.done @!p0 $0x0  }
0x99: {  	[sflag:s0] =	ssyncadd.s32 @!p0 s1  }
0x9a: {  	[bflag:$0x3] =	sbarrier.arrive $0xFFFF  }
0x9b: {  	_ =	shalt  }

// kernel: kernel.9.cloned.1.call-start
scs
__scs_entry_jumppad:
0x0: {  	(pc) =	sbr.rel $0x88, $3  }
0x1: {  	(tag) =	ssettag $0x0;
	lr =	simm.s32 $0x1  }
0x2: {  	[smem:$0x3F93] =	sst lr;
	_ =	strace $0xD0000000  }
0x3: {  	_ = 	snop  }
0x4: {  	_ = 	snop  }
0x5: {  	_ = 	snop  }
0x6: {  	_ = 	snop  }
0x7: {  	_ = 	snop  }
__scs_overlays_trampoline_lowered:
0x8: {  	[smem:$0x3FA2] =	sst s0  }
0x9: {  	[smem:$0x3FA3] =	sst s1  }
0xa: {  	[smem:$0x3FA4] =	sst s2  }
0xb: {  	[smem:$0x3FA5] =	sst s3  }
0xc: {  	[smem:$0x3FA6] =	sst s4  }
0xd: {  	[smem:$0x3FA7] =	sst s5  }
0xe: {  	[smem:$0x3FA8] =	sst s6  }
0xf: {  	[smem:$0x3FA9] =	sst s7  }
0x10: {  	[smem:$0x3FAA] =	sst s8  }
0x11: {  	[smem:$0x3FAB] =	sst s9;
	s0 =	simm.s32 @!p0 $0x0  }
0x12: {  	s1 =	sld [smem:$0x3F91];
	s0 =	simm.s32 @p0 $0x1  }
0x13: {  	[smem:$0x3FAC] =	sst s0;
	s0 =	simm.s32 @!p1 $0x0  }
0x14: {  	s2 =	sld [smem:$0x3F90];
	s0 =	simm.s32 @p1 $0x1  }
0x15: {  	[smem:$0x3FAD] =	sst s0;
	s0 =	simm.s32 @!p2 $0x0  }
0x16: {  	s3 =	sld [smem:$0x3FDB];
	s0 =	simm.s32 @p2 $0x1  }
0x17: {  	s4 =	simm.s32 $0x1BF5;
	[smem:$0x3FAF] =	sst s0  }
0x18: {  	s0 =	sld [smem:$0x3F92];
	_ =	swait.ge [sflag:s4], $0x0  }
0x19: {  	s7 =	sld [smem:$0x3F93]  }
0x1a: {  	s8 =	sadd.s32 $0xFFFFE003, lr  }
0x1b: {  	s9 =	sadd.s32 $0xFFFFFEF7, lr;
	s5 =	simm.s32 $0xFFFFFFFF;
	p2 =	slt.u32 s8, $0xFFFFF086  }
0x1c: {  	p1 =	slt.u32 s9, $0xF7A;
	s5 =	simm.s32 @!p2 $0x0  }
0x1d: {  	s5 =	simm.s32 @p1 $0x1;
	p0 =	seq.s32 s7, s2  }
0x1e: {  	s7 =	smul.u32 @!p0 $0xF7A, s2;
	p2 =	seq.s32 @!p0 s5, $0x0  }
0x1f: {  	s9 =	smul.u32 $0xF7A, s1;
	s8 =	simm.s32 @!p0 $0x1BF5;
	p2 =	por !p2, p0  }
0x20: {  	[sflag:s8] =	ssyncset.s32 @!p0 $0xFFFFF086;
	s6 =	sadd.s32 @!p0 s3, s7;
	s7 =	simm.s32 @!p0 $0x108  }
0x21: {  	s3 =	sadd.s32 s3, s9;
	s6 =	sadd.s32 @!p0 $0x88, s6;
	s7 =	simm.s32 @p2 $0x1082  }
0x22: {  	[simem:s7], [sflag:s8] =	dma.local @!p0 [hbm:s6], $0xF7A  }
0x23: {  	s9 =	sor.u32 $0xD0000000, s2;
	s6 =	simm.s32 $0x108;
	_ =	swait.ge @!p0 [sflag:s8], $0x0  }
0x24: {  	s3 =	sadd.s32 $0x88, s3;
	s6 =	simm.s32 @!p1 $0x1082;
	[sflag:s4] =	ssyncset.s32 $0xFFFFF086  }
0x25: {  	[simem:s6], [sflag:s4] =	dma.local [hbm:s3], $0xF7A  }
0x26: {  	[smem:$0x3F93] =	sst s1;
	(tag) =	ssettag s2;
	_ =	strace s9  }
0x27: {  	s1 =	sld [smem:$0x3FA3]  }
0x28: {  	s2 =	sld [smem:$0x3FA4]  }
0x29: {  	s4 =	sld [smem:$0x3FA6]  }
0x2a: {  	p0 =	seq.s32 s5, $0x0;
	s5 =	sld [smem:$0x3FA7]  }
0x2b: {  	s6 =	sld [smem:$0x3FA8]  }
0x2c: {  	s7 =	sld [smem:$0x3FA9]  }
0x2d: {  	s3 =	simm.s32 $0x108;
	s8 =	sld [smem:$0x3FAA]  }
0x2e: {  	s3 =	simm.s32 @!p0 $0x1082;
	s9 =	sld [smem:$0x3FAB]  }
0x2f: {  	lr =	sadd.s32 s0, s3;
	s0 =	sld [smem:$0x3FA2]  }
0x30: {  	s3 =	sld [smem:$0x3FA5]  }
0x31: {  	[smem:$0x3FAE] =	sst s10  }
0x32: {  	s10 =	sld [smem:$0x3FAC];
	_ =	sdelay $0x3  }
0x33: {  	p0 =	seq.s32 s10, $0x1;
	s10 =	sld [smem:$0x3FAE];
	_ =	sdelay $0x3  }
0x34: {  	[smem:$0x3FAE] =	sst s10  }
0x35: {  	s10 =	sld [smem:$0x3FAD];
	_ =	sdelay $0x3  }
0x36: {  	p1 =	seq.s32 s10, $0x1;
	s10 =	sld [smem:$0x3FAE];
	_ =	sdelay $0x3  }
0x37: {  	[smem:$0x3FAE] =	sst s10  }
0x38: {  	s10 =	sld [smem:$0x3FAF]  }
0x39: {  	_ = 	snop;
	(pc) =	sbr.ind lr, $3  }
0x3a: {  	_ = 	snop  }
0x3b: {  	_ = 	snop  }
0x3c: {  	p2 =	seq.s32 s10, $0x1;
	s10 =	sld [smem:$0x3FAE]  }
0x3d: {  	_ =	shalt  }
0x3e: {  	_ =	shalt  }
0x3f: {  	_ =	shalt  }
0x40: {  	_ =	shalt  }
0x41: {  	_ =	shalt  }
0x42: {  	_ =	shalt  }
0x43: {  	_ =	shalt  }
0x44: {  	_ =	shalt  }
0x45: {  	_ =	shalt  }
0x46: {  	_ =	shalt  }
0x47: {  	_ =	shalt  }
0x48: {  	_ =	shalt  }
0x49: {  	_ =	shalt  }
0x4a: {  	_ =	shalt  }
0x4b: {  	_ =	shalt  }
0x4c: {  	_ =	shalt  }
0x4d: {  	_ =	shalt  }
0x4e: {  	_ =	shalt  }
0x4f: {  	_ =	shalt  }
0x50: {  	_ =	shalt  }
0x51: {  	_ =	shalt  }
0x52: {  	_ =	shalt  }
0x53: {  	_ =	shalt  }
0x54: {  	_ =	shalt  }
0x55: {  	_ =	shalt  }
0x56: {  	_ =	shalt  }
0x57: {  	_ =	shalt  }
0x58: {  	_ =	shalt  }
0x59: {  	_ =	shalt  }
0x5a: {  	_ =	shalt  }
0x5b: {  	_ =	shalt  }
0x5c: {  	_ =	shalt  }
0x5d: {  	_ =	shalt  }
0x5e: {  	_ =	shalt  }
0x5f: {  	_ =	shalt  }
0x60: {  	_ =	shalt  }
0x61: {  	_ =	shalt  }
0x62: {  	_ =	shalt  }
0x63: {  	_ =	shalt  }
0x64: {  	_ =	shalt  }
0x65: {  	_ =	shalt  }
0x66: {  	_ =	shalt  }
0x67: {  	_ =	shalt  }
0x68: {  	_ =	shalt  }
0x69: {  	_ =	shalt  }
0x6a: {  	_ =	shalt  }
0x6b: {  	_ =	shalt  }
0x6c: {  	_ =	shalt  }
0x6d: {  	_ =	shalt  }
0x6e: {  	_ =	shalt  }
0x6f: {  	_ =	shalt  }
0x70: {  	_ =	shalt  }
0x71: {  	_ =	shalt  }
0x72: {  	_ =	shalt  }
0x73: {  	_ =	shalt  }
0x74: {  	_ =	shalt  }
0x75: {  	_ =	shalt  }
0x76: {  	_ =	shalt  }
0x77: {  	_ =	shalt  }
0x78: {  	_ =	shalt  }
0x79: {  	_ =	shalt  }
0x7a: {  	_ =	shalt  }
0x7b: {  	_ =	shalt  }
0x7c: {  	_ =	shalt  }
0x7d: {  	_ =	shalt  }
0x7e: {  	_ =	shalt  }
0x7f: {  	_ =	shalt  }
0x80: {  	_ =	shalt  }
0x81: {  	_ =	shalt  }
0x82: {  	_ =	shalt  }
0x83: {  	_ =	shalt  }
0x84: {  	_ =	shalt  }
0x85: {  	_ =	shalt  }
0x86: {  	_ =	shalt  }
0x87: {  	_ =	shalt  }
.Lfunc_end0:
.L_simem_size_0:
called_computation_lowered:
.L_overlay_start_0:
0x88: {  	s2 =	sld [smem:$0x3FD9]  }
0x89: {  	s3 =	sld [smem:$0x3FFE];
	_ =	sdelay $0x1  }
0x8a: {  	s1 =	srdreg.scid  }
0x8b: {  	s0 =	sand.u32 $0x1, s1  }
0x8c: {  	s17 =	sshll.u32 s0, $0xA;
	s2 =	sadd.s32 s3, s2  }
0x8d: {  	s2 =	sadd.s32 s2, s17  }
0x8e: {  	[smem:$0x3FBA] =	sst s2  }
0x8f: {  	_ = 	snop  }
0x90: {  	s2 =	sld [smem:$0x3FD0];
	(tm) =	ssettm $0x1  }
0x91: {  	s18 =	sld [smem:$0x3FFB];
	_ =	sdelay $0x3  }
0x92: {  	_ =	strace s18  }
0x93: {  	s3 =	sld [smem:$0x3FFC];
	_ =	sdelay $0x3  }
0x94: {  	_ =	strace s3  }
0x95: {  	s3 =	sld [smem:$0x3FFD];
	_ =	sdelay $0x3  }
0x96: {  	_ =	strace s3  }
0x97: {  	_ =	strace $0x8FFFFFFF  }
0x98: {  	s19 =	sld [smem:$0x3FDB];
	_ =	sdelay $0x1  }
0x99: {  	s4 =	simm.s32 $_scs_section_size  }
0x9a: {  	s5 =	simm.s32 $_size__tile_overlayer_lowered;
	s6 =	simm.s32 $_tile_overlayer_lowered  }
0x9b: {  	s22 =	simm.s32 $0x1BFF;
	s21 =	sshll.u32 s6, $0x1;
	s3 =	sadd.s32 s4, s19  }
0x9c: {  	s7 =	simm.s32 $0x0;
	s20 =	sshll.u32 s5, $0x1;
	s5 =	sadd.s32 s21, s3  }
0x9d: {  	[timem:s7], [sflag:s22] =	dma.local [hbm:s5], s20  }
0x9e: {  	_ =	swait.ge [sflag:s22], s20  }
0x9f: {  	s4 =	ssub.s32 $0x0, s20;
	[sflag:s22] =	ssyncset.done $0x0  }
0xa0: {  	[sflag:s22] =	ssyncadd.s32 s4;
	_ =	sdelay $0x1  }
0xa1: {  	s23 =	simm.s32 $0x1B8B  }
0xa2: {  	_ =	swait.ge [sflag:s23], $0x1  }
0xa3: {  	[sflag:s23] =	ssyncset.done $0x0  }
0xa4: {  	s25 =	simm.s32 $0x1B8E;
	s24 =	sld [smem:$0x3FFE];
	[sflag:s23] =	ssyncadd.s32 $0xFFFFFFFF  }
0xa5: {  	s26 =	simm.s32 $execute0_lowered;
	[smem:$0x3FD2] =	sst s25  }
0xa6: {  	s5 =	sshll.u32 s26, $0x1;
	_ =	strace $0x80000046;
	[dreg:$0x1] =	wrdreg $0xFFFFFFFF  }
0xa7: {  	s28 =	simm.s32 $_size_execute0_lowered;
	s3 =	sadd.s32 s3, s5;
	[dreg:$0x0] =	wrdreg $0x0  }
0xa8: {  	s5 =	sshll.u32 s28, $0x1;
	[dreg:$0x2] =	wrdreg s3  }
0xa9: {  	[dreg:$0x3] =	wrdreg s5  }
0xaa: {  	[dreg:$0x4] =	wrdreg $0xC0  }
0xab: {  	_ =	task [dreg:s7], $0x5FFFF  }
0xac: {  	[dreg:$0x1] =	wrdreg $0xFFFFFFFF  }
0xad: {  	[dreg:$0x0] =	wrdreg $0x60  }
0xae: {  	[dreg:$0x2] =	wrdreg s2  }
0xaf: {  	[dreg:$0x3] =	wrdreg s24  }
0xb0: {  	[dreg:$0x4] =	wrdreg $0x9  }
0xb1: {  	_ =	task.clear_ibuf [dreg:s7], $0x5FFFF;
	_ =	strace $0x90000046  }
0xb2: {  	s29 =	simm.s32 $0x9;
	_ =	strace $0x8000004E  }
0xb3: {  	_ =	swait.ge [sflag:s29], $0x1  }
0xb4: {  	[sflag:s29] =	ssyncadd.s32 $0xFFFFFFFF  }
0xb5: {  	_ =	strace $0x9000004E  }
0xb6: {  	_ =	sfence  }
0xb7: {  	s30 =	sld [smem:$0x0];
	_ =	sdelay $0x2  }
0xb8: {  	s31 =	sshll.u32 s1, $0xD;
	s1 =	sshrl.u32 s1, $0x2  }
0xb9: {  	s3 =	sand.u32 $0x4000, s31;
	s1 =	sadd.s32 s1, s30  }
0xba: {  	s0 =	sor.u32 s3, s0;
	s1 =	sshll.u32 s1, $0x11  }
0xbb: {  	s0 =	sor.u32 s1, s0  }
0xbc: {  	s0 =	sadd.s32 $0x8F2B, s0  }
0xbd: {  	[sflag:s0] =	ssyncadd.remote.s32 $0x1  }
0xbe: {  	_ =	sfence.sel $0xFFFF  }
0xbf: {  	[dreg:$0x0] =	wrdreg $0xFFFFFFFF;
	(pc) =	sbr.abs _section_cstart, $3  }
0xc0: {  	[dreg:$0x1] =	wrdreg $0xFFFFFFFF  }
0xc1: {  	_ =	task.clear_ibuf [dreg:s7], $0x2FFFF;
	_ =	strace $0x9FFFFFFF  }
0xc2: {  	(tm) =	ssettm $0x7FFFFFFF  }
0xc3: {  	_ =	shalt  }
tec
execute0_lowered:
.L_overlay_start_1:
0x0: {  	(tag) =	ssettag $0x1  }
0x1: {  	s0 =	srdreg.scid  }
0x2: {  	s15 =	rddreg [dreg:$0x0];
	s19 =	sand.u32 $0x1, s0  }
0x3: {  	s12 =	rddreg [dreg:$0x1];
	s1 =	stileid.u32;
	s3 =	sshll.u32 s19, $0x4  }
0x4: {  	s2 =	simm.s32 $0x0;
	s0 =	rddreg [dreg:$0x2];
	s4 =	sor.u32 s1, s3  }
0x5: {  	[smem:$0x7FF] =	sst s2;
	s3 =	smul.u32 $0x1800, s4  }
0x6: {  	s16 =	sadd.s32 $0x1E00, s12;
	_ =	strace $0x80000047;
	s17 =	smul.u32 $0x3, s4  }
0x7: {  	_ =	strace $0x80000048;
	s4 =	smul.u32 $0x30, s4;
	s3 =	sadd.s32 s15, s3  }
0x8: {  	[tilespmem:s2], [sflag:$0x1] =	stream.linear.gather [hbm4b:s3+s2], $0x4000, $0x200038;
	[tilespmem:$0x8100] =	vst v63  }
0x9: {  	s5 =	simm.s32 $0x8000;
	s4 =	sadd.s32 s16, s4;
	s8 =	sadd.s32 $0x1, s17  }
0xa: {  	[tilespmem:s5], [sflag:$0x3] =	stream.linear.gather [hbm4b:s4+s2], $0x80, $0x200038;
	[tilespmem:$0x8100] =	vst v63  }
0xb: {  	s6 =	sshll.u32 s8, $0xB;
	_ =	strace $0x90000048  }
0xc: {  	s7 =	simm.s32 $0x4000;
	s6 =	sadd.s32 s15, s6;
	_ =	strace $0x80000049  }
0xd: {  	[tilespmem:s7], [sflag:$0x2] =	stream.linear.gather [hbm4b:s6+s2], $0x4000, $0x200038;
	[tilespmem:$0x8100] =	vst v63  }
0xe: {  	s8 =	sshll.u32 s8, $0x4;
	_ =	strace $0x90000049  }
0xf: {  	s9 =	simm.s32 $0x8080;
	s8 =	sadd.s32 s16, s8;
	_ =	strace $0x8000004A  }
0x10: {  	[tilespmem:s9], [sflag:$0x4] =	stream.linear.gather [hbm4b:s8+s2], $0x80, $0x200038;
	[tilespmem:$0x8100] =	vst v63  }
0x11: {  	_ =	strace $0x9000004A  }
0x12: {  	s10 =	simm.s32 $0x1;
	_ =	strace $0x8000004B  }
0x13: {  	_ =	swait.ge [sflag:s10], $0x4000  }
0x14: {  	[sflag:s10] =	ssyncset.done $0x0  }
0x15: {  	[sflag:s10] =	ssyncadd.s32 $0xFFFFC000  }
0x16: {  	_ =	strace $0x9000004B  }
0x17: {  	s11 =	simm.s32 $0x3;
	_ =	strace $0x8000004C  }
0x18: {  	_ =	swait.ge [sflag:s11], $0x80  }
0x19: {  	[sflag:s11] =	ssyncset.done $0x0  }
0x1a: {  	[sflag:s11] =	ssyncadd.s32 $0xFFFFFF80  }
0x1b: {  	s13 =	simm.s32 $0x80;
	_ =	strace $0x9000004C  }
0x1c: {  	s14 =	simm.s32 $0x5;
	s12 =	sadd.s32 $0x2400, s12;
	_ =	strace $0x8000004D  }
0x1d: {  	[hbm4b:s12+s13] =	stream.indirect.scatter [tilespmem:s2], [sflag:$0x5], $0x80, s5, s13, $0x2000b8;
	[tilespmem:$0x8100] =	vst v63  }
0x1e: {  	_ =	swait.ge [sflag:s14], $0x4000  }
0x1f: {  	[sflag:s14] =	ssyncset.done $0x0  }
0x20: {  	s17 =	sadd.s32 $0x2, s17;
	[sflag:s14] =	ssyncadd.s32 $0xFFFFC000  }
0x21: {  	s18 =	sshll.u32 s17, $0xB;
	_ =	strace $0x9000004D  }
0x22: {  	s15 =	sadd.s32 s15, s18;
	_ =	strace $0x80000049  }
0x23: {  	[tilespmem:s2], [sflag:$0x1] =	stream.linear.gather [hbm4b:s15+s2], $0x4000, $0x200038;
	[tilespmem:$0x8100] =	vst v63  }
0x24: {  	s17 =	sshll.u32 s17, $0x4;
	_ =	strace $0x90000049  }
0x25: {  	s16 =	sadd.s32 s16, s17;
	_ =	strace $0x8000004A  }
0x26: {  	[tilespmem:s5], [sflag:$0x3] =	stream.linear.gather [hbm4b:s16+s2], $0x80, $0x200038;
	[tilespmem:$0x8100] =	vst v63  }
0x27: {  	_ =	strace $0x9000004A  }
0x28: {  	s17 =	simm.s32 $0x2;
	_ =	strace $0x8000004B  }
0x29: {  	_ =	swait.ge [sflag:s17], $0x4000  }
0x2a: {  	[sflag:s17] =	ssyncset.done $0x0  }
0x2b: {  	[sflag:s17] =	ssyncadd.s32 $0xFFFFC000  }
0x2c: {  	_ =	strace $0x9000004B  }
0x2d: {  	s18 =	simm.s32 $0x4;
	_ =	strace $0x8000004C  }
0x2e: {  	_ =	swait.ge [sflag:s18], $0x80  }
0x2f: {  	[sflag:s18] =	ssyncset.done $0x0  }
0x30: {  	[sflag:s18] =	ssyncadd.s32 $0xFFFFFF80  }
0x31: {  	_ =	strace $0x9000004C  }
0x32: {  	_ =	strace $0x8000004D  }
0x33: {  	[hbm4b:s12+s13] =	stream.indirect.scatter [tilespmem:s7], [sflag:$0x5], $0x80, s9, s13, $0x2000b8;
	[tilespmem:$0x8100] =	vst v63  }
0x34: {  	_ =	swait.ge [sflag:s14], $0x4000  }
0x35: {  	[sflag:s14] =	ssyncset.done $0x0  }
0x36: {  	[sflag:s14] =	ssyncadd.s32 $0xFFFFC000  }
0x37: {  	_ =	strace $0x9000004D  }
0x38: {  	_ =	strace $0x8000004B  }
0x39: {  	_ =	swait.ge [sflag:s10], $0x4000  }
0x3a: {  	[sflag:s10] =	ssyncset.done $0x0  }
0x3b: {  	[sflag:s10] =	ssyncadd.s32 $0xFFFFC000  }
0x3c: {  	_ =	strace $0x9000004B  }
0x3d: {  	s19 =	ssub.s32 $0x2, s19;
	_ =	strace $0x8000004C  }
0x3e: {  	s20 =	sshrl.u32 s19, $0x1;
	_ =	swait.ge [sflag:s11], $0x80  }
0x3f: {  	s19 =	ssub.s32 s19, s20;
	[sflag:s11] =	ssyncset.done $0x0  }
0x40: {  	s19 =	smax.u32 s19, $0x1;
	[sflag:s11] =	ssyncadd.s32 $0xFFFFFF80  }
0x41: {  	p0 =	sne.s32 s19, $0x1;
	_ =	strace $0x9000004C  }
.Ltmp0:
0x42: {  	_ =	strace $0x8000004D;
	(pc) =	sbr.rel @!p0 .LBB2_2-.Ltmp0, $4  }
0x43: {  	[hbm4b:s12+s13] =	stream.indirect.scatter [tilespmem:s2], [sflag:$0x5], $0x80, s5, s13, $0x2000b8;
	[tilespmem:$0x8100] =	vst v63  }
0x44: {  	_ =	swait.ge [sflag:s14], $0x4000  }
0x45: {  	[sflag:s14] =	ssyncset.done $0x0  }
0x46: {  	s19 =	sadd.s32 $0xFFFFFFFF, s19;
	[sflag:s14] =	ssyncadd.s32 $0xFFFFC000  }
.LBB2_1:
0x47: {  	p0 =	sne.s32 s19, $0x1;
	s19 =	sadd.s32 $0xFFFFFFFF, s19;
	_ =	strace $0x9000004D  }
0x48: {  	_ =	strace $0x80000048  }
0x49: {  	[tilespmem:s2], [sflag:$0x1] =	stream.linear.gather [hbm4b:s3+s2], $0x4000, $0x200038;
	[tilespmem:$0x8100] =	vst v63  }
0x4a: {  	_ = 	snop  }
0x4b: {  	[tilespmem:s5], [sflag:$0x3] =	stream.linear.gather [hbm4b:s4+s2], $0x80, $0x200038;
	[tilespmem:$0x8100] =	vst v63  }
0x4c: {  	_ =	strace $0x90000048  }
0x4d: {  	_ =	strace $0x80000049  }
0x4e: {  	[tilespmem:s7], [sflag:$0x2] =	stream.linear.gather [hbm4b:s6+s2], $0x4000, $0x200038;
	[tilespmem:$0x8100] =	vst v63  }
0x4f: {  	_ =	strace $0x90000049  }
0x50: {  	_ =	strace $0x8000004A  }
0x51: {  	[tilespmem:s9], [sflag:$0x4] =	stream.linear.gather [hbm4b:s8+s2], $0x80, $0x200038;
	[tilespmem:$0x8100] =	vst v63  }
0x52: {  	_ =	strace $0x9000004A  }
0x53: {  	_ =	strace $0x8000004B  }
0x54: {  	_ =	swait.ge [sflag:s10], $0x4000  }
0x55: {  	[sflag:s10] =	ssyncset.done $0x0  }
0x56: {  	[sflag:s10] =	ssyncadd.s32 $0xFFFFC000  }
0x57: {  	_ =	strace $0x9000004B  }
0x58: {  	_ =	strace $0x8000004C  }
0x59: {  	_ =	swait.ge [sflag:s11], $0x80  }
0x5a: {  	[sflag:s11] =	ssyncset.done $0x0  }
0x5b: {  	[sflag:s11] =	ssyncadd.s32 $0xFFFFFF80  }
0x5c: {  	_ =	strace $0x9000004C  }
0x5d: {  	_ =	strace $0x8000004D  }
0x5e: {  	[hbm4b:s12+s13] =	stream.indirect.scatter [tilespmem:s2], [sflag:$0x5], $0x80, s5, s13, $0x2000b8;
	[tilespmem:$0x8100] =	vst v63  }
0x5f: {  	_ =	swait.ge [sflag:s14], $0x4000  }
0x60: {  	[sflag:s14] =	ssyncset.done $0x0  }
0x61: {  	[sflag:s14] =	ssyncadd.s32 $0xFFFFC000  }
0x62: {  	_ =	strace $0x9000004D  }
0x63: {  	_ =	strace $0x80000049  }
0x64: {  	[tilespmem:s2], [sflag:$0x1] =	stream.linear.gather [hbm4b:s15+s2], $0x4000, $0x200038;
	[tilespmem:$0x8100] =	vst v63  }
0x65: {  	_ =	strace $0x90000049  }
0x66: {  	_ =	strace $0x8000004A  }
0x67: {  	[tilespmem:s5], [sflag:$0x3] =	stream.linear.gather [hbm4b:s16+s2], $0x80, $0x200038;
	[tilespmem:$0x8100] =	vst v63  }
0x68: {  	_ =	strace $0x9000004A  }
0x69: {  	_ =	strace $0x8000004B  }
0x6a: {  	_ =	swait.ge [sflag:s17], $0x4000  }
0x6b: {  	[sflag:s17] =	ssyncset.done $0x0  }
0x6c: {  	[sflag:s17] =	ssyncadd.s32 $0xFFFFC000  }
0x6d: {  	_ =	strace $0x9000004B  }
0x6e: {  	_ =	strace $0x8000004C  }
0x6f: {  	_ =	swait.ge [sflag:s18], $0x80  }
0x70: {  	[sflag:s18] =	ssyncset.done $0x0  }
0x71: {  	[sflag:s18] =	ssyncadd.s32 $0xFFFFFF80  }
0x72: {  	_ =	strace $0x9000004C  }
0x73: {  	_ =	strace $0x8000004D  }
0x74: {  	[hbm4b:s12+s13] =	stream.indirect.scatter [tilespmem:s7], [sflag:$0x5], $0x80, s9, s13, $0x2000b8;
	[tilespmem:$0x8100] =	vst v63  }
0x75: {  	_ =	swait.ge [sflag:s14], $0x4000  }
0x76: {  	[sflag:s14] =	ssyncset.done $0x0  }
0x77: {  	[sflag:s14] =	ssyncadd.s32 $0xFFFFC000  }
0x78: {  	_ =	strace $0x9000004D  }
0x79: {  	_ =	strace $0x8000004B  }
0x7a: {  	_ =	swait.ge [sflag:s10], $0x4000  }
0x7b: {  	[sflag:s10] =	ssyncset.done $0x0  }
0x7c: {  	[sflag:s10] =	ssyncadd.s32 $0xFFFFC000  }
0x7d: {  	_ =	strace $0x9000004B  }
0x7e: {  	_ =	strace $0x8000004C  }
0x7f: {  	_ =	swait.ge [sflag:s11], $0x80  }
0x80: {  	[sflag:s11] =	ssyncset.done $0x0  }
0x81: {  	[sflag:s11] =	ssyncadd.s32 $0xFFFFFF80  }
0x82: {  	_ =	strace $0x9000004C  }
.Ltmp1:
0x83: {  	_ =	strace $0x8000004D;
	(pc) =	sbr.rel @p0 .LBB2_1-.Ltmp1, $4  }
0x84: {  	[hbm4b:s12+s13] =	stream.indirect.scatter [tilespmem:s2], [sflag:$0x5], $0x80, s5, s13, $0x2000b8;
	[tilespmem:$0x8100] =	vst v63  }
0x85: {  	_ =	swait.ge [sflag:s14], $0x4000  }
0x86: {  	[sflag:s14] =	ssyncset.done $0x0  }
0x87: {  	[sflag:s14] =	ssyncadd.s32 $0xFFFFC000  }
.LBB2_2:
0x88: {  	_ =	strace $0x9000004D  }
0x89: {  	_ =	sfence.sel $0x180000  }
0x8a: {  	[bflag:$0x0] =	sbarrier.arrive $0xFFFF  }
0x8b: {  	p0 =	sne.s32 s1, $0x0;
	_ =	strace $0x90000047  }
0x8c: {  	s0 =	sadd.s32 @!p0 $0x100000, s0;
	[bflag:$0x2] =	sbarrier.arrive $0xFFFF  }
0x8d: {  	[sflag:s0] =	ssyncadd.tile.s32 @!p0 $0x1;
	_ =	shalt  }
.Lfunc_end2:
_tile_overlayer_lowered:
.L_overlay_start_2:
0x8e: {  	(tag) =	ssettag $0x2  }
0x8f: {  	s0 =	rddreg [dreg:$0x0];
	s2 =	stileid.u32  }
0x90: {  	s1 =	rddreg [dreg:$0x1];
	p0 =	sne.s32 s2, $0x0  }
0x91: {  	s3 =	rddreg [dreg:$0x2];
	[bflag:$0x3] =	sbarrier.arrive $0xFFFF;
	s2 =	simm.s32 @!p0 $0x1C01  }
0x92: {  	[timem:s3], [sflag:s2] =	dma.local @!p0 [hbm:s0], s1  }
0x93: {  	s0 =	simm.s32 @!p0 $0x1  }
0x94: {  	_ =	swait.ge @!p0 [sflag:s0], s1  }
0x95: {  	s1 =	ssub.s32 @!p0 $0x0, s1;
	[sflag:s0] =	ssyncset.done @!p0 $0x0  }
0x96: {  	[sflag:s0] =	ssyncadd.s32 @!p0 s1  }
0x97: {  	[bflag:$0x3] =	sbarrier.arrive $0xFFFF  }
0x98: {  	_ =	shalt  }

</sc_bundles>
